<compile_context>
chip_gen: v7x
topology: tpu7x:2x2x1
jax: 0.10.2.dev20260603
libtpu: 0.0.44.dev20260713+nightly
codegen_flags: <defaults>
</compile_context>

<pallas_src>
import functools

import jax
import jax.numpy as jnp
from jax import lax
from jax.experimental import pallas as pl
from jax.experimental.pallas import tpu as pltpu
from jax.experimental.pallas import tpu_sc as plsc

_N = 2048
_H = 768
_I = 1024
_E = 64
_M = 512

_BLK = 64
_G = _E + _N // _BLK
_P = _G * _BLK


def _router_body(x_ref, wg1_ref, wg2_ref, dest_ref, wrep_ref, be_ref):
    f32 = jnp.float32
    x = x_ref[...]
    a = jnp.tanh(lax.dot_general(x, wg1_ref[...], (((1,), (1,)), ((), ())),
                                 preferred_element_type=f32))
    logits = lax.dot_general(a, wg2_ref[...], (((1,), (1,)), ((), ())),
                             preferred_element_type=f32)
    m = jnp.max(logits, axis=-1, keepdims=True)
    ex = jnp.exp(logits - m)
    probs = ex / jnp.sum(ex, axis=-1, keepdims=True)
    pmax = jnp.max(probs, axis=-1, keepdims=True)
    lane = lax.broadcasted_iota(jnp.int32, (_N, _E), 1)
    eid = jnp.min(jnp.where(probs == pmax, lane, _E), axis=-1)
    onehot = (lane == eid[:, None]).astype(f32)

    rr = lax.broadcasted_iota(jnp.int32, (_N, _N), 0)
    cc = lax.broadcasted_iota(jnp.int32, (_N, _N), 1)
    tri = (cc < rr).astype(f32)
    ranks_all = lax.dot_general(tri, onehot, (((1,), (0,)), ((), ())),
                                preferred_element_type=f32)
    rank = jnp.sum(ranks_all * onehot, axis=-1)

    counts = jnp.sum(onehot, axis=0, keepdims=True)
    nb = jnp.floor((counts + (_BLK - 1)) * (1.0 / _BLK))
    er = lax.broadcasted_iota(jnp.int32, (_E, _E), 0)
    ec = lax.broadcasted_iota(jnp.int32, (_E, _E), 1)
    triu = (er <= ec).astype(f32)
    cum = lax.dot_general(nb, triu, (((1,), (0,)), ((), ())),
                          preferred_element_type=f32)
    pad_off = (cum - nb) * _BLK
    dest = jnp.sum(onehot * pad_off, axis=-1) + rank
    dest_ref[...] = dest.astype(jnp.int32)
    wrep_ref[...] = jnp.broadcast_to(pmax, (_N, 128))

    total = cum[0, _E - 1]
    lane_e = lax.broadcasted_iota(jnp.int32, (1, _E), 1)
    last_ne = jnp.max(jnp.where(counts > 0, lane_e, -1))
    bf = lax.broadcasted_iota(jnp.int32, (_G, _E), 0).astype(f32)
    cnt = jnp.sum((cum <= bf).astype(jnp.int32), axis=-1)
    be = jnp.where(bf[:, 0] < total, cnt, last_ne)
    be_ref[...] = be.astype(jnp.int32)


def _router(x, wg1, wg2):
    return pl.pallas_call(
        _router_body,
        out_shape=[
            jax.ShapeDtypeStruct((_N,), jnp.int32),
            jax.ShapeDtypeStruct((_N, 128), jnp.float32),
            jax.ShapeDtypeStruct((_G,), jnp.int32),
        ],
    )(x, wg1, wg2)


def _ffn_body(be_ref, xs_ref, wup_ref, wdn_ref, ws_ref, ys_ref):
    del be_ref
    xb = xs_ref[...]
    up = lax.dot_general(xb, wup_ref[0], (((1,), (1,)), ((), ())),
                         preferred_element_type=jnp.float32)
    g = up[:, :_I]
    u = up[:, _I:]
    h = g * jax.nn.sigmoid(g) * u
    y = lax.dot_general(h, wdn_ref[0], (((1,), (1,)), ((), ())),
                        preferred_element_type=jnp.float32)
    ys_ref[...] = y * ws_ref[:, :1]


def _ffn(be, xs, w_up, w_down, ws):
    grid_spec = pltpu.PrefetchScalarGridSpec(
        num_scalar_prefetch=1,
        grid=(_G,),
        in_specs=[
            pl.BlockSpec((_BLK, _H), lambda i, be: (i, 0)),
            pl.BlockSpec((1, 2 * _I, _H), lambda i, be: (be[i], 0, 0)),
            pl.BlockSpec((1, _H, _I), lambda i, be: (be[i], 0, 0)),
            pl.BlockSpec((_BLK, 128), lambda i, be: (i, 0)),
        ],
        out_specs=pl.BlockSpec((_BLK, _H), lambda i, be: (i, 0)),
    )
    return pl.pallas_call(
        _ffn_body,
        grid_spec=grid_spec,
        out_shape=jax.ShapeDtypeStruct((_P, _H), jnp.float32),
    )(be, xs, w_up, w_down, ws)


_NC = 2
_NS = 16
_NW = _NC * _NS
_CHUNK = _N // _NW


def _dispatch(x, wrep, dest):
    mesh = plsc.VectorSubcoreMesh(core_axis_name="c", subcore_axis_name="s",
                                  num_cores=_NC, num_subcores=_NS)

    @functools.partial(
        pl.kernel,
        out_type=[
            jax.ShapeDtypeStruct((_P, _H), jnp.float32),
            jax.ShapeDtypeStruct((_P, 128), jnp.float32),
        ],
        mesh=mesh,
        scratch_types=[
            pltpu.VMEM((_CHUNK,), jnp.int32),
            pltpu.VMEM((_CHUNK, _H), jnp.float32),
            pltpu.VMEM((_CHUNK, 128), jnp.float32),
            pltpu.SemaphoreType.DMA,
            pltpu.SemaphoreType.DMA,
        ],
    )
    def k(x_hbm, wrep_hbm, dest_hbm, xs_hbm, ws_hbm,
          idx_v, rows_v, wrows_v, sem1, sem2):
        wid = lax.axis_index("s") * _NC + lax.axis_index("c")
        base = wid * _CHUNK
        pltpu.sync_copy(dest_hbm.at[pl.ds(base, _CHUNK)], idx_v)
        pltpu.sync_copy(x_hbm.at[pl.ds(base, _CHUNK)], rows_v)
        pltpu.sync_copy(wrep_hbm.at[pl.ds(base, _CHUNK)], wrows_v)
        c1 = pltpu.async_copy(rows_v, xs_hbm.at[idx_v], sem1)
        c2 = pltpu.async_copy(wrows_v, ws_hbm.at[idx_v], sem2)
        c1.wait()
        c2.wait()

    return k(x, wrep, dest)


def _combine(ys, dest):
    mesh = plsc.VectorSubcoreMesh(core_axis_name="c", subcore_axis_name="s",
                                  num_cores=_NC, num_subcores=_NS)

    @functools.partial(
        pl.kernel,
        out_type=jax.ShapeDtypeStruct((_N, _H), jnp.float32),
        mesh=mesh,
        scratch_types=[
            pltpu.VMEM((_CHUNK,), jnp.int32),
            pltpu.VMEM((_CHUNK, _H), jnp.float32),
            pltpu.SemaphoreType.DMA,
        ],
    )
    def k(ys_hbm, dest_hbm, out_hbm, idx_v, rows_v, sem):
        wid = lax.axis_index("s") * _NC + lax.axis_index("c")
        base = wid * _CHUNK
        pltpu.sync_copy(dest_hbm.at[pl.ds(base, _CHUNK)], idx_v)
        pltpu.async_copy(ys_hbm.at[idx_v], rows_v, sem).wait()
        pltpu.sync_copy(rows_v, out_hbm.at[pl.ds(base, _CHUNK)])

    return k(ys, dest)


def kernel(hidden_states, wg1, wg2, w_up, w_down):
    x = hidden_states.reshape(-1, _H)
    dest, wrep, be = _router(x, wg1, wg2)
    xs, ws = _dispatch(x, wrep, dest)
    ys = _ffn(be, xs, w_up, w_down, ws)
    return _combine(ys, dest)

# --- scband reference (transcript-rebuilt; emitter-appended) ---
"""Pipeline reference for scband-skywork-mo-e-37555194036876 (READ-ONLY COPY).

The authoritative reference and input builder live on the scoring server;
editing this copy changes nothing except your own understanding.
"""

import jax, jax.numpy as jnp
import numpy as np

NUM_EXPERTS = 64
TOP_K = 1
HIDDEN = 768
INTER = 1024
NUM_TOKENS = 2048


def setup_inputs(seed: int = 0) -> dict:
    key = jax.random.key(seed)
    ks = jax.random.split(key, 5)
    x = jax.random.normal(ks[0], (NUM_TOKENS, HIDDEN), dtype=jnp.float32)
    middle = NUM_EXPERTS * 8
    # 2-layer gate (moe_2layer_gate=True): Linear(H, 8E) -> tanh -> Linear(8E, E), no bias
    wg1 = jax.random.normal(ks[1], (middle, HIDDEN), dtype=jnp.float32) * 0.02
    wg2 = jax.random.normal(ks[2], (NUM_EXPERTS, middle), dtype=jnp.float32) * 0.02
    # fused gate+up projection: [E, 2*I, H]; down projection: [E, H, I]
    w_up = jax.random.normal(ks[3], (NUM_EXPERTS, 2 * INTER, HIDDEN), dtype=jnp.float32) * 0.02
    w_down = jax.random.normal(ks[4], (NUM_EXPERTS, HIDDEN, INTER), dtype=jnp.float32) * 0.02
    return {"hidden_states": x, "wg1": wg1, "wg2": wg2, "w_up": w_up, "w_down": w_down}


def reference(hidden_states, wg1, wg2, w_up, w_down):
    x = hidden_states.reshape(-1, HIDDEN)
    # SkyworkRouter: 2-layer gate with tanh
    router_logits = jnp.tanh(x @ wg1.T) @ wg2.T
    # skywork gating (moe_use_mixtral_gating=False, moe_use_logits_norm=False):
    # softmax over experts, then top-k, then multiply by top_k (moe_feature_no_mul_topk=False)
    probs = jax.nn.softmax(router_logits, axis=-1)
    routing_weights, selected = jax.lax.top_k(probs, TOP_K)
    routing_weights = routing_weights * float(TOP_K)
    out = jnp.zeros((x.shape[0], HIDDEN), dtype=x.dtype)
    for k in range(TOP_K):
        for e in range(NUM_EXPERTS):
            mask = selected[:, k] == e
            up = x @ w_up[e].T  # [N, 2I]
            g, u = jnp.split(up, 2, axis=-1)
            h = jax.nn.silu(g) * u  # SwiGLU
            ye = h @ w_down[e].T  # [N, H]
            ye = ye * routing_weights[:, k:k + 1]
            out = out + jnp.where(mask[:, None], ye, jnp.zeros_like(ye))
    return out

if __name__ == "__main__":
    import jax
    _d = setup_inputs()
    print(jax.jit(kernel)(*tuple(_d.values())))

</pallas_src>

<mosaic_0001>
#map = affine_map<(d0, d1) -> (0, 0)>
#map1 = affine_map<(d0, d1) -> (0)>
module attributes {stable_mosaic.version = 14 : i64} {
  func.func @k(%arg0: i32, %arg1: i32, %arg2: memref<6144x768xf32, #tpu.memory_space<hbm>>, %arg3: memref<2048xi32, #tpu.memory_space<hbm>>, %arg4: memref<2048x768xf32, #tpu.memory_space<hbm>>, %arg5: memref<64xi32, #tpu.memory_space<vmem>>, %arg6: memref<64x768xf32, #tpu.memory_space<vmem>>, %arg7: memref<!tpu.dma_semaphore, #tpu.memory_space<semaphore_mem>>) attributes {dimension_semantics = [#tpu.dimension_semantics<core_parallel>, #tpu.dimension_semantics<subcore_parallel>], iteration_bounds = array<i64: 2, 16>, scalar_prefetch = 0 : i64, scratch_operands = 3 : i64, tpu.core_type = #tpu.core_type<sc_vector_subcore>, window_params = [{transform_indices = #map}, {transform_indices = #map1}, {transform_indices = #map}]} {
    %mul3A = arith.constant 2 : i32
    %mul3A_0 = arith.muli %arg1, %mul3A : i32
    %add3A = arith.addi %mul3A_0, %arg0 : i32
    %mul3A_1 = arith.constant 64 : i32
    %mul3A_2 = arith.muli %add3A, %mul3A_1 : i32
    "tpu.region"() ({
      %run_scoped3A = tpu.sem_alloc : memref<!tpu.dma_semaphore, #tpu.memory_space<semaphore_mem>>
      %dma_start3A_7 = tpu.memref_slice %arg3[%mul3A_2] : memref<2048xi32, #tpu.memory_space<hbm>> -> memref<64xi32, #tpu.memory_space<hbm>>
      %dma_start3A_8 = tpu.memref_slice %arg3[%mul3A_2] : memref<2048xi32, #tpu.memory_space<hbm>> -> memref<64xi32, #tpu.memory_space<hbm>>
      tpu.enqueue_dma source(%dma_start3A_8 : memref<64xi32, #tpu.memory_space<hbm>>) target(%arg5 : memref<64xi32, #tpu.memory_space<vmem>>) target_semaphore(%run_scoped3A : memref<!tpu.dma_semaphore, #tpu.memory_space<semaphore_mem>>)
      %dma_wait3A_9 = tpu.memref_slice %arg3[%mul3A_2] : memref<2048xi32, #tpu.memory_space<hbm>> -> memref<64xi32, #tpu.memory_space<hbm>>
      %dma_wait3A_10 = tpu.memref_slice %arg3[%mul3A_2] : memref<2048xi32, #tpu.memory_space<hbm>> -> memref<64xi32, #tpu.memory_space<hbm>>
      tpu.wait_dma2 semaphore(%run_scoped3A : memref<!tpu.dma_semaphore, #tpu.memory_space<semaphore_mem>>) src(%dma_wait3A_10 : memref<64xi32, #tpu.memory_space<hbm>>) dst(%arg5 : memref<64xi32, #tpu.memory_space<vmem>>)
      tpu.yield
    }) : () -> ()
    %dma_start3A = arith.constant 0 : i32
    %dma_start3A_3 = arith.constant 0 : i32
    %dma_start3A_4 = tpu.memref_slice %arg2[%dma_start3A, %dma_start3A_3] : memref<6144x768xf32, #tpu.memory_space<hbm>> -> memref<6144x768xf32, #tpu.memory_space<hbm>>
    tpu.enqueue_indirect_dma source(%dma_start3A_4 : memref<6144x768xf32, #tpu.memory_space<hbm>>) target(%arg6 : memref<64x768xf32, #tpu.memory_space<vmem>>) offsets(%arg5 : memref<64xi32, #tpu.memory_space<vmem>>) semaphore(%arg7 : memref<!tpu.dma_semaphore, #tpu.memory_space<semaphore_mem>>)
    %dma_wait3A = arith.constant 0 : i32
    %dma_wait3A_5 = arith.constant 0 : i32
    %dma_wait3A_6 = tpu.memref_slice %arg2[%dma_wait3A, %dma_wait3A_5] : memref<6144x768xf32, #tpu.memory_space<hbm>> -> memref<6144x768xf32, #tpu.memory_space<hbm>>
    tpu.wait_indirect_dma semaphore(%arg7 : memref<!tpu.dma_semaphore, #tpu.memory_space<semaphore_mem>>) src(%dma_wait3A_6 : memref<6144x768xf32, #tpu.memory_space<hbm>>) dst(%arg6 : memref<64x768xf32, #tpu.memory_space<vmem>>)
    "tpu.region"() ({
      %run_scoped3A = tpu.sem_alloc : memref<!tpu.dma_semaphore, #tpu.memory_space<semaphore_mem>>
      %dma_start3A_7 = arith.constant 0 : i32
      %dma_start3A_8 = tpu.memref_slice %arg4[%mul3A_2, %dma_start3A_7] : memref<2048x768xf32, #tpu.memory_space<hbm>> -> memref<64x768xf32, #tpu.memory_space<hbm>>
      %dma_start3A_9 = arith.constant 0 : i32
      %dma_start3A_10 = tpu.memref_slice %arg4[%mul3A_2, %dma_start3A_9] : memref<2048x768xf32, #tpu.memory_space<hbm>> -> memref<64x768xf32, #tpu.memory_space<hbm>>
      tpu.enqueue_dma source(%arg6 : memref<64x768xf32, #tpu.memory_space<vmem>>) target(%dma_start3A_10 : memref<64x768xf32, #tpu.memory_space<hbm>>) target_semaphore(%run_scoped3A : memref<!tpu.dma_semaphore, #tpu.memory_space<semaphore_mem>>)
      %dma_wait3A_11 = arith.constant 0 : i32
      %dma_wait3A_12 = tpu.memref_slice %arg4[%mul3A_2, %dma_wait3A_11] : memref<2048x768xf32, #tpu.memory_space<hbm>> -> memref<64x768xf32, #tpu.memory_space<hbm>>
      %dma_wait3A_13 = arith.constant 0 : i32
      %dma_wait3A_14 = tpu.memref_slice %arg4[%mul3A_2, %dma_wait3A_13] : memref<2048x768xf32, #tpu.memory_space<hbm>> -> memref<64x768xf32, #tpu.memory_space<hbm>>
      tpu.wait_dma2 semaphore(%run_scoped3A : memref<!tpu.dma_semaphore, #tpu.memory_space<semaphore_mem>>) src(%arg6 : memref<64x768xf32, #tpu.memory_space<vmem>>) dst(%dma_wait3A_14 : memref<64x768xf32, #tpu.memory_space<hbm>>)
      tpu.yield
    }) : () -> ()
    return
  }
}

#map = affine_map<(d0, d1) -> (0, 0)>
#map1 = affine_map<(d0, d1) -> (0)>
module attributes {stable_mosaic.version = 14 : i64} {
  func.func @k(%arg0: i32, %arg1: i32, %arg2: memref<2048x768xf32, #tpu.memory_space<hbm>>, %arg3: memref<2048x128xf32, #tpu.memory_space<hbm>>, %arg4: memref<2048xi32, #tpu.memory_space<hbm>>, %arg5: memref<6144x768xf32, #tpu.memory_space<hbm>>, %arg6: memref<6144x128xf32, #tpu.memory_space<hbm>>, %arg7: memref<64xi32, #tpu.memory_space<vmem>>, %arg8: memref<64x768xf32, #tpu.memory_space<vmem>>, %arg9: memref<64x128xf32, #tpu.memory_space<vmem>>, %arg10: memref<!tpu.dma_semaphore, #tpu.memory_space<semaphore_mem>>, %arg11: memref<!tpu.dma_semaphore, #tpu.memory_space<semaphore_mem>>) attributes {dimension_semantics = [#tpu.dimension_semantics<core_parallel>, #tpu.dimension_semantics<subcore_parallel>], iteration_bounds = array<i64: 2, 16>, scalar_prefetch = 0 : i64, scratch_operands = 5 : i64, tpu.core_type = #tpu.core_type<sc_vector_subcore>, window_params = [{transform_indices = #map}, {transform_indices = #map}, {transform_indices = #map1}, {transform_indices = #map}, {transform_indices = #map}]} {
    %mul3A = arith.constant 2 : i32
    %mul3A_0 = arith.muli %arg1, %mul3A : i32
    %add3A = arith.addi %mul3A_0, %arg0 : i32
    %mul3A_1 = arith.constant 64 : i32
    %mul3A_2 = arith.muli %add3A, %mul3A_1 : i32
    "tpu.region"() ({
      %run_scoped3A = tpu.sem_alloc : memref<!tpu.dma_semaphore, #tpu.memory_space<semaphore_mem>>
      %dma_start3A_13 = tpu.memref_slice %arg4[%mul3A_2] : memref<2048xi32, #tpu.memory_space<hbm>> -> memref<64xi32, #tpu.memory_space<hbm>>
      %dma_start3A_14 = tpu.memref_slice %arg4[%mul3A_2] : memref<2048xi32, #tpu.memory_space<hbm>> -> memref<64xi32, #tpu.memory_space<hbm>>
      tpu.enqueue_dma source(%dma_start3A_14 : memref<64xi32, #tpu.memory_space<hbm>>) target(%arg7 : memref<64xi32, #tpu.memory_space<vmem>>) target_semaphore(%run_scoped3A : memref<!tpu.dma_semaphore, #tpu.memory_space<semaphore_mem>>)
      %dma_wait3A_15 = tpu.memref_slice %arg4[%mul3A_2] : memref<2048xi32, #tpu.memory_space<hbm>> -> memref<64xi32, #tpu.memory_space<hbm>>
      %dma_wait3A_16 = tpu.memref_slice %arg4[%mul3A_2] : memref<2048xi32, #tpu.memory_space<hbm>> -> memref<64xi32, #tpu.memory_space<hbm>>
      tpu.wait_dma2 semaphore(%run_scoped3A : memref<!tpu.dma_semaphore, #tpu.memory_space<semaphore_mem>>) src(%dma_wait3A_16 : memref<64xi32, #tpu.memory_space<hbm>>) dst(%arg7 : memref<64xi32, #tpu.memory_space<vmem>>)
      tpu.yield
    }) : () -> ()
    "tpu.region"() ({
      %run_scoped3A = tpu.sem_alloc : memref<!tpu.dma_semaphore, #tpu.memory_space<semaphore_mem>>
      %dma_start3A_13 = arith.constant 0 : i32
      %dma_start3A_14 = tpu.memref_slice %arg2[%mul3A_2, %dma_start3A_13] : memref<2048x768xf32, #tpu.memory_space<hbm>> -> memref<64x768xf32, #tpu.memory_space<hbm>>
      %dma_start3A_15 = arith.constant 0 : i32
      %dma_start3A_16 = tpu.memref_slice %arg2[%mul3A_2, %dma_start3A_15] : memref<2048x768xf32, #tpu.memory_space<hbm>> -> memref<64x768xf32, #tpu.memory_space<hbm>>
      tpu.enqueue_dma source(%dma_start3A_16 : memref<64x768xf32, #tpu.memory_space<hbm>>) target(%arg8 : memref<64x768xf32, #tpu.memory_space<vmem>>) target_semaphore(%run_scoped3A : memref<!tpu.dma_semaphore, #tpu.memory_space<semaphore_mem>>)
      %dma_wait3A_17 = arith.constant 0 : i32
      %dma_wait3A_18 = tpu.memref_slice %arg2[%mul3A_2, %dma_wait3A_17] : memref<2048x768xf32, #tpu.memory_space<hbm>> -> memref<64x768xf32, #tpu.memory_space<hbm>>
      %dma_wait3A_19 = arith.constant 0 : i32
      %dma_wait3A_20 = tpu.memref_slice %arg2[%mul3A_2, %dma_wait3A_19] : memref<2048x768xf32, #tpu.memory_space<hbm>> -> memref<64x768xf32, #tpu.memory_space<hbm>>
      tpu.wait_dma2 semaphore(%run_scoped3A : memref<!tpu.dma_semaphore, #tpu.memory_space<semaphore_mem>>) src(%dma_wait3A_20 : memref<64x768xf32, #tpu.memory_space<hbm>>) dst(%arg8 : memref<64x768xf32, #tpu.memory_space<vmem>>)
      tpu.yield
    }) : () -> ()
    "tpu.region"() ({
      %run_scoped3A = tpu.sem_alloc : memref<!tpu.dma_semaphore, #tpu.memory_space<semaphore_mem>>
      %dma_start3A_13 = arith.constant 0 : i32
      %dma_start3A_14 = tpu.memref_slice %arg3[%mul3A_2, %dma_start3A_13] : memref<2048x128xf32, #tpu.memory_space<hbm>> -> memref<64x128xf32, #tpu.memory_space<hbm>>
      %dma_start3A_15 = arith.constant 0 : i32
      %dma_start3A_16 = tpu.memref_slice %arg3[%mul3A_2, %dma_start3A_15] : memref<2048x128xf32, #tpu.memory_space<hbm>> -> memref<64x128xf32, #tpu.memory_space<hbm>>
      tpu.enqueue_dma source(%dma_start3A_16 : memref<64x128xf32, #tpu.memory_space<hbm>>) target(%arg9 : memref<64x128xf32, #tpu.memory_space<vmem>>) target_semaphore(%run_scoped3A : memref<!tpu.dma_semaphore, #tpu.memory_space<semaphore_mem>>)
      %dma_wait3A_17 = arith.constant 0 : i32
      %dma_wait3A_18 = tpu.memref_slice %arg3[%mul3A_2, %dma_wait3A_17] : memref<2048x128xf32, #tpu.memory_space<hbm>> -> memref<64x128xf32, #tpu.memory_space<hbm>>
      %dma_wait3A_19 = arith.constant 0 : i32
      %dma_wait3A_20 = tpu.memref_slice %arg3[%mul3A_2, %dma_wait3A_19] : memref<2048x128xf32, #tpu.memory_space<hbm>> -> memref<64x128xf32, #tpu.memory_space<hbm>>
      tpu.wait_dma2 semaphore(%run_scoped3A : memref<!tpu.dma_semaphore, #tpu.memory_space<semaphore_mem>>) src(%dma_wait3A_20 : memref<64x128xf32, #tpu.memory_space<hbm>>) dst(%arg9 : memref<64x128xf32, #tpu.memory_space<vmem>>)
      tpu.yield
    }) : () -> ()
    %dma_start3A = arith.constant 0 : i32
    %dma_start3A_3 = arith.constant 0 : i32
    %dma_start3A_4 = tpu.memref_slice %arg5[%dma_start3A, %dma_start3A_3] : memref<6144x768xf32, #tpu.memory_space<hbm>> -> memref<6144x768xf32, #tpu.memory_space<hbm>>
    tpu.enqueue_indirect_dma source(%arg8 : memref<64x768xf32, #tpu.memory_space<vmem>>) target(%dma_start3A_4 : memref<6144x768xf32, #tpu.memory_space<hbm>>) offsets(%arg7 : memref<64xi32, #tpu.memory_space<vmem>>) semaphore(%arg10 : memref<!tpu.dma_semaphore, #tpu.memory_space<semaphore_mem>>)
    %dma_start3A_5 = arith.constant 0 : i32
    %dma_start3A_6 = arith.constant 0 : i32
    %dma_start3A_7 = tpu.memref_slice %arg6[%dma_start3A_5, %dma_start3A_6] : memref<6144x128xf32, #tpu.memory_space<hbm>> -> memref<6144x128xf32, #tpu.memory_space<hbm>>
    tpu.enqueue_indirect_dma source(%arg9 : memref<64x128xf32, #tpu.memory_space<vmem>>) target(%dma_start3A_7 : memref<6144x128xf32, #tpu.memory_space<hbm>>) offsets(%arg7 : memref<64xi32, #tpu.memory_space<vmem>>) semaphore(%arg11 : memref<!tpu.dma_semaphore, #tpu.memory_space<semaphore_mem>>)
    %dma_wait3A = arith.constant 0 : i32
    %dma_wait3A_8 = arith.constant 0 : i32
    %dma_wait3A_9 = tpu.memref_slice %arg5[%dma_wait3A, %dma_wait3A_8] : memref<6144x768xf32, #tpu.memory_space<hbm>> -> memref<6144x768xf32, #tpu.memory_space<hbm>>
    tpu.wait_indirect_dma semaphore(%arg10 : memref<!tpu.dma_semaphore, #tpu.memory_space<semaphore_mem>>) src(%arg8 : memref<64x768xf32, #tpu.memory_space<vmem>>) dst(%dma_wait3A_9 : memref<6144x768xf32, #tpu.memory_space<hbm>>)
    %dma_wait3A_10 = arith.constant 0 : i32
    %dma_wait3A_11 = arith.constant 0 : i32
    %dma_wait3A_12 = tpu.memref_slice %arg6[%dma_wait3A_10, %dma_wait3A_11] : memref<6144x128xf32, #tpu.memory_space<hbm>> -> memref<6144x128xf32, #tpu.memory_space<hbm>>
    tpu.wait_indirect_dma semaphore(%arg11 : memref<!tpu.dma_semaphore, #tpu.memory_space<semaphore_mem>>) src(%arg9 : memref<64x128xf32, #tpu.memory_space<vmem>>) dst(%dma_wait3A_12 : memref<6144x128xf32, #tpu.memory_space<hbm>>)
    return
  }
}

module attributes {stable_mosaic.version = 14 : i64} {
  func.func @_ffn_body(%arg0: i32, %arg1: memref<96xi32, #tpu.memory_space<smem>>, %arg2: memref<64x768xf32, #tpu.memory_space<vmem>>, %arg3: memref<1x2048x768xf32, #tpu.memory_space<vmem>>, %arg4: memref<1x768x1024xf32, #tpu.memory_space<vmem>>, %arg5: memref<64x128xf32, #tpu.memory_space<vmem>>, %arg6: memref<64x768xf32, #tpu.memory_space<vmem>>) attributes {dimension_semantics = [#tpu.dimension_semantics<arbitrary>], iteration_bounds = array<i64: 96>, scalar_prefetch = 1 : i64, scratch_operands = 0 : i64, tpu.core_type = #tpu.core_type<tc>, window_params = [{transform_indices = @transform_0, window_bounds = array<i64: 64, 768>}, {transform_indices = @transform_1, window_bounds = array<i64: 1, 2048, 768>}, {transform_indices = @transform_2, window_bounds = array<i64: 1, 768, 1024>}, {transform_indices = @transform_3, window_bounds = array<i64: 64, 128>}, {transform_indices = @transform_4, window_bounds = array<i64: 64, 768>}]} {
    %get3A = arith.constant 0 : index
    %get3A_0 = arith.constant 0 : index
    %get3A_1 = vector.load %arg2[%get3A, %get3A_0] : memref<64x768xf32, #tpu.memory_space<vmem>>, vector<64x768xf32>
    %get3A_2 = arith.constant 0 : index
    %get3A_3 = arith.constant 0 : index
    %get3A_4 = arith.constant 0 : index
    %get3A_5 = vector.load %arg3[%get3A_2, %get3A_3, %get3A_4] : memref<1x2048x768xf32, #tpu.memory_space<vmem>>, vector<1x2048x768xf32>
    %get3A_6 = vector.shape_cast %get3A_5 : vector<1x2048x768xf32> to vector<2048x768xf32>
    %dot_general3A = arith.constant dense<0.000000e+00> : vector<64x2048xf32>
    %dot_general3A_7 = tpu.matmul %get3A_1, %get3A_6, %dot_general3A {dimension_numbers = #tpu.dot_dimension_numbers<[1], [1], [0], [0], [0, 0, 1, 0], [], []>, transpose_lhs_hint = false} : vector<64x768xf32>, vector<2048x768xf32>, vector<64x2048xf32> -> vector<64x2048xf32>
    %slice3A = vector.extract_strided_slice %dot_general3A_7 {offsets = [0, 0], sizes = [64, 1024], strides = [1, 1]} : vector<64x2048xf32> to vector<64x1024xf32>
    %slice3A_8 = vector.extract_strided_slice %dot_general3A_7 {offsets = [0, 1024], sizes = [64, 1024], strides = [1, 1]} : vector<64x2048xf32> to vector<64x1024xf32>
    %logistic3A = arith.negf %slice3A : vector<64x1024xf32>
    %logistic3A_9 = math.exp %logistic3A : vector<64x1024xf32>
    %logistic3A_10 = arith.constant 1.000000e+00 : f32
    %logistic3A_11 = vector.broadcast %logistic3A_10 : f32 to vector<64x1024xf32>
    %logistic3A_12 = arith.addf %logistic3A_11, %logistic3A_9 : vector<64x1024xf32>
    %logistic3A_13 = arith.divf %logistic3A_11, %logistic3A_12 : vector<64x1024xf32>
    %mul3A = arith.mulf %slice3A, %logistic3A_13 : vector<64x1024xf32>
    %mul3A_14 = arith.mulf %mul3A, %slice3A_8 : vector<64x1024xf32>
    %get3A_15 = arith.constant 0 : index
    %get3A_16 = arith.constant 0 : index
    %get3A_17 = arith.constant 0 : index
    %get3A_18 = vector.load %arg4[%get3A_15, %get3A_16, %get3A_17] : memref<1x768x1024xf32, #tpu.memory_space<vmem>>, vector<1x768x1024xf32>
    %get3A_19 = vector.shape_cast %get3A_18 : vector<1x768x1024xf32> to vector<768x1024xf32>
    %dot_general3A_20 = arith.constant dense<0.000000e+00> : vector<64x768xf32>
    %dot_general3A_21 = tpu.matmul %mul3A_14, %get3A_19, %dot_general3A_20 {dimension_numbers = #tpu.dot_dimension_numbers<[1], [1], [0], [0], [0, 0, 1, 0], [], []>, transpose_lhs_hint = false} : vector<64x1024xf32>, vector<768x1024xf32>, vector<64x768xf32> -> vector<64x768xf32>
    %get3A_22 = arith.constant 0 : index
    %get3A_23 = arith.constant 0 : index
    %get3A_24 = vector.load %arg5[%get3A_22, %get3A_23] : memref<64x128xf32, #tpu.memory_space<vmem>>, vector<64x1xf32>
    %mul3A_25 = vector.broadcast %get3A_24 : vector<64x1xf32> to vector<64x768xf32>
    %mul3A_26 = arith.mulf %dot_general3A_21, %mul3A_25 : vector<64x768xf32>
    %swap3A = arith.constant 0 : index
    %swap3A_27 = arith.constant 0 : index
    %swap3A_28 = vector.load %arg6[%swap3A, %swap3A_27] : memref<64x768xf32, #tpu.memory_space<vmem>>, vector<64x768xf32>
    tpu.vector_store %arg6[%swap3A, %swap3A_27], %mul3A_26 {strides = array<i32>} : memref<64x768xf32, #tpu.memory_space<vmem>>, vector<64x768xf32>,
    return
  }
  func.func @transform_0(%arg0: i32, %arg1: memref<96xi32, #tpu.memory_space<smem>>) -> (i32, i32) {
    %c0_i32 = arith.constant 0 : i32
    %c0_i32_0 = arith.constant 0 : i32
    return %arg0, %c0_i32 : i32, i32
  }
  func.func @transform_1(%arg0: i32, %arg1: memref<96xi32, #tpu.memory_space<smem>>) -> (i32, i32, i32) {
    %get3A = arith.index_cast %arg0 : i32 to index
    %get3A_0 = memref.load %arg1[%get3A] : memref<96xi32, #tpu.memory_space<smem>>
    %c0_i32 = arith.constant 0 : i32
    %c0_i32_1 = arith.constant 0 : i32
    %c0_i32_2 = arith.constant 0 : i32
    return %get3A_0, %c0_i32, %c0_i32_1 : i32, i32, i32
  }
  func.func @transform_2(%arg0: i32, %arg1: memref<96xi32, #tpu.memory_space<smem>>) -> (i32, i32, i32) {
    %get3A = arith.index_cast %arg0 : i32 to index
    %get3A_0 = memref.load %arg1[%get3A] : memref<96xi32, #tpu.memory_space<smem>>
    %c0_i32 = arith.constant 0 : i32
    %c0_i32_1 = arith.constant 0 : i32
    %c0_i32_2 = arith.constant 0 : i32
    return %get3A_0, %c0_i32, %c0_i32_1 : i32, i32, i32
  }
  func.func @transform_3(%arg0: i32, %arg1: memref<96xi32, #tpu.memory_space<smem>>) -> (i32, i32) {
    %c0_i32 = arith.constant 0 : i32
    %c0_i32_0 = arith.constant 0 : i32
    return %arg0, %c0_i32 : i32, i32
  }
  func.func @transform_4(%arg0: i32, %arg1: memref<96xi32, #tpu.memory_space<smem>>) -> (i32, i32) {
    %c0_i32 = arith.constant 0 : i32
    %c0_i32_0 = arith.constant 0 : i32
    return %arg0, %c0_i32 : i32, i32
  }
}

module attributes {stable_mosaic.version = 14 : i64} {
  func.func @_router_body(%arg0: memref<2048x768xf32, #tpu.memory_space<vmem>>, %arg1: memref<512x768xf32, #tpu.memory_space<vmem>>, %arg2: memref<64x512xf32, #tpu.memory_space<vmem>>, %arg3: memref<2048xi32, #tpu.memory_space<vmem>>, %arg4: memref<2048x128xf32, #tpu.memory_space<vmem>>, %arg5: memref<96xi32, #tpu.memory_space<vmem>>) attributes {dimension_semantics = [], scalar_prefetch = 0 : i64, scratch_operands = 0 : i64, tpu.core_type = #tpu.core_type<tc>} {
    %get3A = arith.constant 0 : index
    %get3A_0 = arith.constant 0 : index
    %get3A_1 = vector.load %arg0[%get3A, %get3A_0] : memref<2048x768xf32, #tpu.memory_space<vmem>>, vector<2048x768xf32>
    %get3A_2 = arith.constant 0 : index
    %get3A_3 = arith.constant 0 : index
    %get3A_4 = vector.load %arg1[%get3A_2, %get3A_3] : memref<512x768xf32, #tpu.memory_space<vmem>>, vector<512x768xf32>
    %dot_general3A = arith.constant dense<0.000000e+00> : vector<2048x512xf32>
    %dot_general3A_5 = tpu.matmul %get3A_1, %get3A_4, %dot_general3A {dimension_numbers = #tpu.dot_dimension_numbers<[1], [1], [0], [0], [0, 0, 1, 0], [], []>, transpose_lhs_hint = false} : vector<2048x768xf32>, vector<512x768xf32>, vector<2048x512xf32> -> vector<2048x512xf32>
    %tanh3A = math.tanh %dot_general3A_5 : vector<2048x512xf32>
    %get3A_6 = arith.constant 0 : index
    %get3A_7 = arith.constant 0 : index
    %get3A_8 = vector.load %arg2[%get3A_6, %get3A_7] : memref<64x512xf32, #tpu.memory_space<vmem>>, vector<64x512xf32>
    %dot_general3A_9 = arith.constant dense<0.000000e+00> : vector<2048x64xf32>
    %dot_general3A_10 = tpu.matmul %tanh3A, %get3A_8, %dot_general3A_9 {dimension_numbers = #tpu.dot_dimension_numbers<[1], [1], [0], [0], [0, 0, 1, 0], [], []>, transpose_lhs_hint = false} : vector<2048x512xf32>, vector<64x512xf32>, vector<2048x64xf32> -> vector<2048x64xf32>
    %reduce_max3A = arith.constant dense<0xFF800000> : vector<2048xf32>
    %reduce_max3A_11 = vector.multi_reduction <maximumf>, %dot_general3A_10, %reduce_max3A [1] : vector<2048x64xf32> to vector<2048xf32>
    %broadcast_in_dim3A = vector.shape_cast %reduce_max3A_11 : vector<2048xf32> to vector<2048x1xf32>
    %sub3A = vector.broadcast %broadcast_in_dim3A : vector<2048x1xf32> to vector<2048x64xf32>
    %sub3A_12 = arith.subf %dot_general3A_10, %sub3A : vector<2048x64xf32>
    %exp3A = math.exp %sub3A_12 : vector<2048x64xf32>
    %reduce_sum3A = arith.constant dense<0.000000e+00> : vector<2048xf32>
    %reduce_sum3A_13 = vector.multi_reduction <add>, %exp3A, %reduce_sum3A [1] : vector<2048x64xf32> to vector<2048xf32>
    %broadcast_in_dim3A_14 = vector.shape_cast %reduce_sum3A_13 : vector<2048xf32> to vector<2048x1xf32>
    %div3A = vector.broadcast %broadcast_in_dim3A_14 : vector<2048x1xf32> to vector<2048x64xf32>
    %div3A_15 = arith.divf %exp3A, %div3A : vector<2048x64xf32>
    %reduce_max3A_16 = arith.constant dense<0xFF800000> : vector<2048xf32>
    %reduce_max3A_17 = vector.multi_reduction <maximumf>, %div3A_15, %reduce_max3A_16 [1] : vector<2048x64xf32> to vector<2048xf32>
    %broadcast_in_dim3A_18 = vector.shape_cast %reduce_max3A_17 : vector<2048xf32> to vector<2048x1xf32>
    %iota3A = tpu.iota {dimensions = array<i32: 1>} : vector<2048x64xi32>
    %eq3A = vector.broadcast %broadcast_in_dim3A_18 : vector<2048x1xf32> to vector<2048x64xf32>
    %eq3A_19 = arith.cmpf oeq, %div3A_15, %eq3A : vector<2048x64xf32>
    %jit3A = arith.constant 64 : i32
    %broadcast_in_dim3A_20 = vector.broadcast %jit3A : i32 to vector<2048x64xi32>
    %select_n3A = arith.select %eq3A_19, %iota3A, %broadcast_in_dim3A_20 : vector<2048x64xi1>, vector<2048x64xi32>
    %reduce_min3A = arith.constant dense<2147483647> : vector<2048xi32>
    %reduce_min3A_21 = vector.multi_reduction <minsi>, %select_n3A, %reduce_min3A [1] : vector<2048x64xi32> to vector<2048xi32>
    %broadcast_in_dim3A_22 = vector.shape_cast %reduce_min3A_21 : vector<2048xi32> to vector<2048x1xi32>
    %eq3A_23 = vector.broadcast %broadcast_in_dim3A_22 : vector<2048x1xi32> to vector<2048x64xi32>
    %eq3A_24 = arith.cmpi eq, %iota3A, %eq3A_23 : vector<2048x64xi32>
    %convert_element_type3A = arith.extui %eq3A_24 : vector<2048x64xi1> to vector<2048x64xi32>
    %convert_element_type3A_25 = arith.sitofp %convert_element_type3A : vector<2048x64xi32> to vector<2048x64xf32>
    %iota3A_26 = tpu.iota {dimensions = array<i32: 0>} : vector<2048x2048xi32>
    %iota3A_27 = tpu.iota {dimensions = array<i32: 1>} : vector<2048x2048xi32>
    %lt3A = arith.cmpi slt, %iota3A_27, %iota3A_26 : vector<2048x2048xi32>
    %convert_element_type3A_28 = arith.extui %lt3A : vector<2048x2048xi1> to vector<2048x2048xi32>
    %convert_element_type3A_29 = arith.sitofp %convert_element_type3A_28 : vector<2048x2048xi32> to vector<2048x2048xf32>
    %dot_general3A_30 = arith.constant dense<0.000000e+00> : vector<2048x64xf32>
    %dot_general3A_31 = tpu.matmul %convert_element_type3A_29, %convert_element_type3A_25, %dot_general3A_30 {dimension_numbers = #tpu.dot_dimension_numbers<[1], [0], [0], [1], [0, 0, 1, 1], [], []>, transpose_lhs_hint = false} : vector<2048x2048xf32>, vector<2048x64xf32>, vector<2048x64xf32> -> vector<2048x64xf32>
    %mul3A = arith.mulf %dot_general3A_31, %convert_element_type3A_25 : vector<2048x64xf32>
    %reduce_sum3A_32 = arith.constant dense<0.000000e+00> : vector<2048xf32>
    %reduce_sum3A_33 = vector.multi_reduction <add>, %mul3A, %reduce_sum3A_32 [1] : vector<2048x64xf32> to vector<2048xf32>
    %reduce_sum3A_34 = arith.constant dense<0.000000e+00> : vector<64xf32>
    %reduce_sum3A_35 = vector.multi_reduction <add>, %convert_element_type3A_25, %reduce_sum3A_34 [0] : vector<2048x64xf32> to vector<64xf32>
    %broadcast_in_dim3A_36 = vector.shape_cast %reduce_sum3A_35 : vector<64xf32> to vector<1x64xf32>
    %add3A = arith.constant 6.300000e+01 : f32
    %add3A_37 = vector.broadcast %add3A : f32 to vector<1x64xf32>
    %add3A_38 = arith.addf %broadcast_in_dim3A_36, %add3A_37 : vector<1x64xf32>
    %mul3A_39 = arith.constant 1.562500e-02 : f32
    %mul3A_40 = vector.broadcast %mul3A_39 : f32 to vector<1x64xf32>
    %mul3A_41 = arith.mulf %add3A_38, %mul3A_40 : vector<1x64xf32>
    %floor3A = math.floor %mul3A_41 : vector<1x64xf32>
    %iota3A_42 = tpu.iota {dimensions = array<i32: 0>} : vector<64x64xi32>
    %iota3A_43 = tpu.iota {dimensions = array<i32: 1>} : vector<64x64xi32>
    %le3A = arith.cmpi sle, %iota3A_42, %iota3A_43 : vector<64x64xi32>
    %convert_element_type3A_44 = arith.extui %le3A : vector<64x64xi1> to vector<64x64xi32>
    %convert_element_type3A_45 = arith.sitofp %convert_element_type3A_44 : vector<64x64xi32> to vector<64x64xf32>
    %dot_general3A_46 = arith.constant dense<0.000000e+00> : vector<1x64xf32>
    %dot_general3A_47 = tpu.matmul %floor3A, %convert_element_type3A_45, %dot_general3A_46 {dimension_numbers = #tpu.dot_dimension_numbers<[1], [0], [0], [1], [0, 0, 1, 1], [], []>, transpose_lhs_hint = false} : vector<1x64xf32>, vector<64x64xf32>, vector<1x64xf32> -> vector<1x64xf32>
    %sub3A_48 = arith.subf %dot_general3A_47, %floor3A : vector<1x64xf32>
    %mul3A_49 = arith.constant 6.400000e+01 : f32
    %mul3A_50 = vector.broadcast %mul3A_49 : f32 to vector<1x64xf32>
    %mul3A_51 = arith.mulf %sub3A_48, %mul3A_50 : vector<1x64xf32>
    %mul3A_52 = vector.broadcast %mul3A_51 : vector<1x64xf32> to vector<2048x64xf32>
    %mul3A_53 = arith.mulf %convert_element_type3A_25, %mul3A_52 : vector<2048x64xf32>
    %reduce_sum3A_54 = arith.constant dense<0.000000e+00> : vector<2048xf32>
    %reduce_sum3A_55 = vector.multi_reduction <add>, %mul3A_53, %reduce_sum3A_54 [1] : vector<2048x64xf32> to vector<2048xf32>
    %add3A_56 = arith.addf %reduce_sum3A_55, %reduce_sum3A_33 : vector<2048xf32>
    %convert_element_type3A_57 = arith.fptosi %add3A_56 : vector<2048xf32> to vector<2048xi32>
    %swap3A = arith.constant 0 : index
    %swap3A_58 = vector.load %arg3[%swap3A] : memref<2048xi32, #tpu.memory_space<vmem>>, vector<2048xi32>
    tpu.vector_store %arg3[%swap3A], %convert_element_type3A_57 {strides = array<i32>} : memref<2048xi32, #tpu.memory_space<vmem>>, vector<2048xi32>,
    %broadcast_in_dim3A_59 = vector.shape_cast %broadcast_in_dim3A_18 : vector<2048x1xf32> to vector<2048x1xf32>
    %broadcast_in_dim3A_60 = vector.broadcast %broadcast_in_dim3A_59 : vector<2048x1xf32> to vector<2048x128xf32>
    %swap3A_61 = arith.constant 0 : index
    %swap3A_62 = arith.constant 0 : index
    %swap3A_63 = vector.load %arg4[%swap3A_61, %swap3A_62] : memref<2048x128xf32, #tpu.memory_space<vmem>>, vector<2048x128xf32>
    tpu.vector_store %arg4[%swap3A_61, %swap3A_62], %broadcast_in_dim3A_60 {strides = array<i32>} : memref<2048x128xf32, #tpu.memory_space<vmem>>, vector<2048x128xf32>,
    %slice3A = vector.extract_strided_slice %dot_general3A_47 {offsets = [0, 63], sizes = [1, 1], strides = [1, 1]} : vector<1x64xf32> to vector<1x1xf32>
    %squeeze3A = vector.extract %slice3A[0, 0] : f32 from vector<1x1xf32>
    %iota3A_64 = tpu.iota {dimensions = array<i32: 1>} : vector<1x64xi32>
    %gt3A = arith.constant 0.000000e+00 : f32
    %gt3A_65 = vector.broadcast %gt3A : f32 to vector<1x64xf32>
    %gt3A_66 = arith.cmpf ogt, %broadcast_in_dim3A_36, %gt3A_65 : vector<1x64xf32>
    %jit3A_67 = arith.constant -1 : i32
    %broadcast_in_dim3A_68 = vector.broadcast %jit3A_67 : i32 to vector<1x64xi32>
    %select_n3A_69 = arith.select %gt3A_66, %iota3A_64, %broadcast_in_dim3A_68 : vector<1x64xi1>, vector<1x64xi32>
    %reduce_max3A_70 = vector.shape_cast %select_n3A_69 : vector<1x64xi32> to vector<1x1x64xi32>
    %reduce_max3A_71 = arith.constant dense<-2147483648> : vector<1xi32>
    %reduce_max3A_72 = vector.multi_reduction <maxsi>, %reduce_max3A_70, %reduce_max3A_71 [1, 2] : vector<1x1x64xi32> to vector<1xi32>
    %reduce_max3A_73 = vector.shape_cast %reduce_max3A_72 : vector<1xi32> to vector<1x1x1xi32>
    %reduce_max3A_74 = vector.extract %reduce_max3A_73[0, 0, 0] : i32 from vector<1x1x1xi32>
    %iota3A_75 = tpu.iota {dimensions = array<i32: 0>} : vector<96x64xi32>
    %convert_element_type3A_76 = arith.sitofp %iota3A_75 : vector<96x64xi32> to vector<96x64xf32>
    %le3A_77 = vector.broadcast %dot_general3A_47 : vector<1x64xf32> to vector<96x64xf32>
    %le3A_78 = arith.cmpf ole, %le3A_77, %convert_element_type3A_76 : vector<96x64xf32>
    %convert_element_type3A_79 = arith.extui %le3A_78 : vector<96x64xi1> to vector<96x64xi32>
    %reduce_sum3A_80 = arith.constant dense<0> : vector<96xi32>
    %reduce_sum3A_81 = vector.multi_reduction <add>, %convert_element_type3A_79, %reduce_sum3A_80 [1] : vector<96x64xi32> to vector<96xi32>
    %slice3A_82 = vector.extract_strided_slice %convert_element_type3A_76 {offsets = [0, 0], sizes = [96, 1], strides = [1, 1]} : vector<96x64xf32> to vector<96x1xf32>
    %squeeze3A_83 = vector.shape_cast %slice3A_82 : vector<96x1xf32> to vector<96xf32>
    %lt3A_84 = vector.broadcast %squeeze3A : f32 to vector<96xf32>
    %lt3A_85 = arith.cmpf olt, %squeeze3A_83, %lt3A_84 : vector<96xf32>
    %broadcast_in_dim3A_86 = vector.broadcast %reduce_max3A_74 : i32 to vector<96xi32>
    %select_n3A_87 = arith.select %lt3A_85, %reduce_sum3A_81, %broadcast_in_dim3A_86 : vector<96xi1>, vector<96xi32>
    %swap3A_88 = arith.constant 0 : index
    %swap3A_89 = vector.load %arg5[%swap3A_88] : memref<96xi32, #tpu.memory_space<vmem>>, vector<96xi32>
    tpu.vector_store %arg5[%swap3A_88], %select_n3A_87 {strides = array<i32>} : memref<96xi32, #tpu.memory_space<vmem>>, vector<96xi32>,
    return
  }
}

</mosaic_0001>

<sc_bundles>
// kernel: kernel.6.cloned.1.call-start
scs
__scs_entry_jumppad:
0x0: {  	(pc) =	sbr.rel $0x88, $3  }
0x1: {  	(tag) =	ssettag $0x0;
	lr =	simm.s32 $0x1  }
0x2: {  	[smem:$0x3F9C] =	sst lr;
	_ =	strace $0xD0000000  }
0x3: {  	_ = 	snop  }
0x4: {  	_ = 	snop  }
0x5: {  	_ = 	snop  }
0x6: {  	_ = 	snop  }
0x7: {  	_ = 	snop  }
__scs_overlays_trampoline_lowered:
0x8: {  	[smem:$0x3FAB] =	sst s0  }
0x9: {  	[smem:$0x3FAC] =	sst s1  }
0xa: {  	[smem:$0x3FAD] =	sst s2  }
0xb: {  	[smem:$0x3FAE] =	sst s3  }
0xc: {  	[smem:$0x3FAF] =	sst s4  }
0xd: {  	[smem:$0x3FB0] =	sst s5  }
0xe: {  	[smem:$0x3FB1] =	sst s6  }
0xf: {  	[smem:$0x3FB2] =	sst s7  }
0x10: {  	[smem:$0x3FB3] =	sst s8  }
0x11: {  	[smem:$0x3FB4] =	sst s9;
	s0 =	simm.s32 @!p0 $0x0  }
0x12: {  	s1 =	sld [smem:$0x3F9A];
	s0 =	simm.s32 @p0 $0x1  }
0x13: {  	[smem:$0x3FB5] =	sst s0;
	s0 =	simm.s32 @!p1 $0x0  }
0x14: {  	s2 =	sld [smem:$0x3F99];
	s0 =	simm.s32 @p1 $0x1  }
0x15: {  	[smem:$0x3FB6] =	sst s0;
	s0 =	simm.s32 @!p2 $0x0  }
0x16: {  	s3 =	sld [smem:$0x3FDB];
	s0 =	simm.s32 @p2 $0x1  }
0x17: {  	s4 =	simm.s32 $0x1BF5;
	[smem:$0x3FB8] =	sst s0  }
0x18: {  	s0 =	sld [smem:$0x3F9B];
	_ =	swait.ge [sflag:s4], $0x0  }
0x19: {  	s7 =	sld [smem:$0x3F9C]  }
0x1a: {  	s8 =	sadd.s32 $0xFFFFE003, lr  }
0x1b: {  	s9 =	sadd.s32 $0xFFFFFEF7, lr;
	s5 =	simm.s32 $0xFFFFFFFF;
	p2 =	slt.u32 s8, $0xFFFFF086  }
0x1c: {  	p1 =	slt.u32 s9, $0xF7A;
	s5 =	simm.s32 @!p2 $0x0  }
0x1d: {  	s5 =	simm.s32 @p1 $0x1;
	p0 =	seq.s32 s7, s2  }
0x1e: {  	s7 =	smul.u32 @!p0 $0xF7A, s2;
	p2 =	seq.s32 @!p0 s5, $0x0  }
0x1f: {  	s9 =	smul.u32 $0xF7A, s1;
	s8 =	simm.s32 @!p0 $0x1BF5;
	p2 =	por !p2, p0  }
0x20: {  	[sflag:s8] =	ssyncset.s32 @!p0 $0xFFFFF086;
	s6 =	sadd.s32 @!p0 s3, s7;
	s7 =	simm.s32 @!p0 $0x108  }
0x21: {  	s3 =	sadd.s32 s3, s9;
	s6 =	sadd.s32 @!p0 $0x88, s6;
	s7 =	simm.s32 @p2 $0x1082  }
0x22: {  	[simem:s7], [sflag:s8] =	dma.local @!p0 [hbm:s6], $0xF7A  }
0x23: {  	s9 =	sor.u32 $0xD0000000, s2;
	s6 =	simm.s32 $0x108;
	_ =	swait.ge @!p0 [sflag:s8], $0x0  }
0x24: {  	s3 =	sadd.s32 $0x88, s3;
	s6 =	simm.s32 @!p1 $0x1082;
	[sflag:s4] =	ssyncset.s32 $0xFFFFF086  }
0x25: {  	[simem:s6], [sflag:s4] =	dma.local [hbm:s3], $0xF7A  }
0x26: {  	[smem:$0x3F9C] =	sst s1;
	(tag) =	ssettag s2;
	_ =	strace s9  }
0x27: {  	s1 =	sld [smem:$0x3FAC]  }
0x28: {  	s2 =	sld [smem:$0x3FAD]  }
0x29: {  	s4 =	sld [smem:$0x3FAF]  }
0x2a: {  	p0 =	seq.s32 s5, $0x0;
	s5 =	sld [smem:$0x3FB0]  }
0x2b: {  	s6 =	sld [smem:$0x3FB1]  }
0x2c: {  	s7 =	sld [smem:$0x3FB2]  }
0x2d: {  	s3 =	simm.s32 $0x108;
	s8 =	sld [smem:$0x3FB3]  }
0x2e: {  	s3 =	simm.s32 @!p0 $0x1082;
	s9 =	sld [smem:$0x3FB4]  }
0x2f: {  	lr =	sadd.s32 s0, s3;
	s0 =	sld [smem:$0x3FAB]  }
0x30: {  	s3 =	sld [smem:$0x3FAE]  }
0x31: {  	[smem:$0x3FB7] =	sst s10  }
0x32: {  	s10 =	sld [smem:$0x3FB5];
	_ =	sdelay $0x3  }
0x33: {  	p0 =	seq.s32 s10, $0x1;
	s10 =	sld [smem:$0x3FB7];
	_ =	sdelay $0x3  }
0x34: {  	[smem:$0x3FB7] =	sst s10  }
0x35: {  	s10 =	sld [smem:$0x3FB6];
	_ =	sdelay $0x3  }
0x36: {  	p1 =	seq.s32 s10, $0x1;
	s10 =	sld [smem:$0x3FB7];
	_ =	sdelay $0x3  }
0x37: {  	[smem:$0x3FB7] =	sst s10  }
0x38: {  	s10 =	sld [smem:$0x3FB8]  }
0x39: {  	_ = 	snop;
	(pc) =	sbr.ind lr, $3  }
0x3a: {  	_ = 	snop  }
0x3b: {  	_ = 	snop  }
0x3c: {  	p2 =	seq.s32 s10, $0x1;
	s10 =	sld [smem:$0x3FB7]  }
0x3d: {  	_ =	shalt  }
0x3e: {  	_ =	shalt  }
0x3f: {  	_ =	shalt  }
0x40: {  	_ =	shalt  }
0x41: {  	_ =	shalt  }
0x42: {  	_ =	shalt  }
0x43: {  	_ =	shalt  }
0x44: {  	_ =	shalt  }
0x45: {  	_ =	shalt  }
0x46: {  	_ =	shalt  }
0x47: {  	_ =	shalt  }
0x48: {  	_ =	shalt  }
0x49: {  	_ =	shalt  }
0x4a: {  	_ =	shalt  }
0x4b: {  	_ =	shalt  }
0x4c: {  	_ =	shalt  }
0x4d: {  	_ =	shalt  }
0x4e: {  	_ =	shalt  }
0x4f: {  	_ =	shalt  }
0x50: {  	_ =	shalt  }
0x51: {  	_ =	shalt  }
0x52: {  	_ =	shalt  }
0x53: {  	_ =	shalt  }
0x54: {  	_ =	shalt  }
0x55: {  	_ =	shalt  }
0x56: {  	_ =	shalt  }
0x57: {  	_ =	shalt  }
0x58: {  	_ =	shalt  }
0x59: {  	_ =	shalt  }
0x5a: {  	_ =	shalt  }
0x5b: {  	_ =	shalt  }
0x5c: {  	_ =	shalt  }
0x5d: {  	_ =	shalt  }
0x5e: {  	_ =	shalt  }
0x5f: {  	_ =	shalt  }
0x60: {  	_ =	shalt  }
0x61: {  	_ =	shalt  }
0x62: {  	_ =	shalt  }
0x63: {  	_ =	shalt  }
0x64: {  	_ =	shalt  }
0x65: {  	_ =	shalt  }
0x66: {  	_ =	shalt  }
0x67: {  	_ =	shalt  }
0x68: {  	_ =	shalt  }
0x69: {  	_ =	shalt  }
0x6a: {  	_ =	shalt  }
0x6b: {  	_ =	shalt  }
0x6c: {  	_ =	shalt  }
0x6d: {  	_ =	shalt  }
0x6e: {  	_ =	shalt  }
0x6f: {  	_ =	shalt  }
0x70: {  	_ =	shalt  }
0x71: {  	_ =	shalt  }
0x72: {  	_ =	shalt  }
0x73: {  	_ =	shalt  }
0x74: {  	_ =	shalt  }
0x75: {  	_ =	shalt  }
0x76: {  	_ =	shalt  }
0x77: {  	_ =	shalt  }
0x78: {  	_ =	shalt  }
0x79: {  	_ =	shalt  }
0x7a: {  	_ =	shalt  }
0x7b: {  	_ =	shalt  }
0x7c: {  	_ =	shalt  }
0x7d: {  	_ =	shalt  }
0x7e: {  	_ =	shalt  }
0x7f: {  	_ =	shalt  }
0x80: {  	_ =	shalt  }
0x81: {  	_ =	shalt  }
0x82: {  	_ =	shalt  }
0x83: {  	_ =	shalt  }
0x84: {  	_ =	shalt  }
0x85: {  	_ =	shalt  }
0x86: {  	_ =	shalt  }
0x87: {  	_ =	shalt  }
.Lfunc_end0:
.L_simem_size_0:
called_computation_lowered:
.L_overlay_start_0:
0x88: {  	s2 =	sld [smem:$0x3FD9]  }
0x89: {  	s3 =	sld [smem:$0x3FFE];
	_ =	sdelay $0x1  }
0x8a: {  	s1 =	srdreg.scid  }
0x8b: {  	s0 =	sand.u32 $0x1, s1  }
0x8c: {  	s17 =	sshll.u32 s0, $0xA;
	s2 =	sadd.s32 s3, s2  }
0x8d: {  	s2 =	sadd.s32 s2, s17  }
0x8e: {  	[smem:$0x3FC3] =	sst s2  }
0x8f: {  	_ = 	snop  }
0x90: {  	s2 =	sld [smem:$0x3FC9]  }
0x91: {  	s18 =	sld [smem:$0x3FD0];
	(tm) =	ssettm $0x1  }
0x92: {  	s4 =	sld [smem:$0x3FFB];
	_ =	sdelay $0x3  }
0x93: {  	_ =	strace s4  }
0x94: {  	s4 =	sld [smem:$0x3FFC];
	_ =	sdelay $0x3  }
0x95: {  	_ =	strace s4  }
0x96: {  	s4 =	sld [smem:$0x3FFD];
	_ =	sdelay $0x3  }
0x97: {  	_ =	strace s4  }
0x98: {  	_ =	strace $0x8FFFFFFF  }
0x99: {  	s19 =	sld [smem:$0x3FDB];
	_ =	sdelay $0x1  }
0x9a: {  	s5 =	simm.s32 $_scs_section_size  }
0x9b: {  	s6 =	simm.s32 $_size__tile_overlayer_lowered;
	s7 =	simm.s32 $_tile_overlayer_lowered  }
0x9c: {  	s22 =	simm.s32 $0x1BFF;
	s21 =	sshll.u32 s7, $0x1;
	s4 =	sadd.s32 s5, s19  }
0x9d: {  	s8 =	simm.s32 $0x0;
	s20 =	sshll.u32 s6, $0x1;
	s6 =	sadd.s32 s21, s4  }
0x9e: {  	[timem:s8], [sflag:s22] =	dma.local [hbm:s6], s20  }
0x9f: {  	_ =	swait.ge [sflag:s22], s20  }
0xa0: {  	s5 =	ssub.s32 $0x0, s20;
	[sflag:s22] =	ssyncset.done $0x0  }
0xa1: {  	[sflag:s22] =	ssyncadd.s32 s5;
	_ =	sdelay $0x1  }
0xa2: {  	s23 =	simm.s32 $0x1B8B  }
0xa3: {  	_ =	swait.ge [sflag:s23], $0x1  }
0xa4: {  	[sflag:s23] =	ssyncset.done $0x0  }
0xa5: {  	s25 =	simm.s32 $0x1B8E;
	s24 =	sld [smem:$0x3FFE];
	[sflag:s23] =	ssyncadd.s32 $0xFFFFFFFF  }
0xa6: {  	s26 =	simm.s32 $execute0_lowered;
	[smem:$0x3FD2] =	sst s25  }
0xa7: {  	s6 =	sshll.u32 s26, $0x1;
	_ =	strace $0x80000046;
	[dreg:$0x1] =	wrdreg $0xFFFFFFFF  }
0xa8: {  	s28 =	simm.s32 $_size_execute0_lowered;
	s4 =	sadd.s32 s4, s6;
	[dreg:$0x0] =	wrdreg $0x0  }
0xa9: {  	s6 =	sshll.u32 s28, $0x1;
	[dreg:$0x2] =	wrdreg s4  }
0xaa: {  	[dreg:$0x3] =	wrdreg s6  }
0xab: {  	[dreg:$0x4] =	wrdreg $0xC0  }
0xac: {  	_ =	task [dreg:s8], $0x5FFFF  }
0xad: {  	[dreg:$0x1] =	wrdreg $0xFFFFFFFF  }
0xae: {  	[dreg:$0x0] =	wrdreg $0x60  }
0xaf: {  	[dreg:$0x2] =	wrdreg s2  }
0xb0: {  	[dreg:$0x3] =	wrdreg s24  }
0xb1: {  	[dreg:$0x4] =	wrdreg s18  }
0xb2: {  	[dreg:$0x5] =	wrdreg $0x9  }
0xb3: {  	_ =	task.clear_ibuf [dreg:s8], $0x6FFFF;
	_ =	strace $0x90000046  }
0xb4: {  	s29 =	simm.s32 $0x9;
	_ =	strace $0x80000048  }
0xb5: {  	_ =	swait.ge [sflag:s29], $0x1  }
0xb6: {  	[sflag:s29] =	ssyncadd.s32 $0xFFFFFFFF  }
0xb7: {  	_ =	strace $0x90000048  }
0xb8: {  	_ =	sfence  }
0xb9: {  	s30 =	sld [smem:$0x0];
	_ =	sdelay $0x2  }
0xba: {  	s31 =	sshll.u32 s1, $0xD;
	s1 =	sshrl.u32 s1, $0x2  }
0xbb: {  	s3 =	sand.u32 $0x4000, s31;
	s1 =	sadd.s32 s1, s30  }
0xbc: {  	s0 =	sor.u32 s3, s0;
	s1 =	sshll.u32 s1, $0x11  }
0xbd: {  	s0 =	sor.u32 s1, s0  }
0xbe: {  	s0 =	sadd.s32 $0x8F2B, s0  }
0xbf: {  	[sflag:s0] =	ssyncadd.remote.s32 $0x1  }
0xc0: {  	_ =	sfence.sel $0xFFFF  }
0xc1: {  	[dreg:$0x0] =	wrdreg $0xFFFFFFFF;
	(pc) =	sbr.abs _section_cstart, $3  }
0xc2: {  	[dreg:$0x1] =	wrdreg $0xFFFFFFFF  }
0xc3: {  	_ =	task.clear_ibuf [dreg:s8], $0x2FFFF;
	_ =	strace $0x9FFFFFFF  }
0xc4: {  	(tm) =	ssettm $0x7FFFFFFF  }
0xc5: {  	_ =	shalt  }
tec
execute0_lowered:
.L_overlay_start_1:
0x0: {  	(tag) =	ssettag $0x1  }
0x1: {  	s1 =	rddreg [dreg:$0x0]  }
0x2: {  	s5 =	rddreg [dreg:$0x1];
	s2 =	srdreg.scid  }
0x3: {  	s3 =	rddreg [dreg:$0x2];
	s0 =	stileid.u32;
	s23 =	simm.s32 $0x880  }
0x4: {  	s24 =	simm.s32 $0x1080;
	s25 =	simm.s32 $0x1880;
	s8 =	simm.s32 $0x80  }
0x5: {  	s26 =	simm.s32 $0x2080;
	s9 =	simm.s32 $0xC080;
	s11 =	simm.s32 $0x3080  }
0x6: {  	s12 =	simm.s32 $0x3880;
	s13 =	simm.s32 $0x4080;
	s14 =	simm.s32 $0x4880  }
0x7: {  	s15 =	simm.s32 $0x5080;
	s16 =	simm.s32 $0x5880;
	s17 =	simm.s32 $0x6080  }
0x8: {  	s18 =	simm.s32 $0x6880;
	s19 =	simm.s32 $0x7080;
	s28 =	simm.s32 $0xB080  }
0x9: {  	s4 =	sand.u32 $0x1, s2;
	[dreg:$0x4] =	wrdreg s3;
	s2 =	simm.s32 $0x0  }
0xa: {  	s29 =	simm.s32 $0xB880;
	s30 =	simm.s32 $0x40;
	[smem:$0x7FF] =	sst s2  }
0xb: {  	s31 =	simm.s32 $0x1;
	_ =	strace $0x80000047;
	[dreg:$0x8] =	wrdreg s23  }
0xc: {  	s20 =	sshll.u32 s0, $0x7;
	s6 =	sshll.u32 s4, $0x6;
	[dreg:$0x9] =	wrdreg s24  }
0xd: {  	s4 =	ssub.s32 $0x2, s4;
	s3 =	sor.u32 s6, s20;
	[dreg:$0xa] =	wrdreg s25  }
0xe: {  	s21 =	sshrl.u32 s4, $0x1;
	[dreg:$0xb] =	wrdreg s26;
	s20 =	simm.s32 $0x7880  }
0xf: {  	s23 =	simm.s32 $0x9080;
	s24 =	simm.s32 $0x9880;
	s25 =	simm.s32 $0xA080  }
0x10: {  	s26 =	simm.s32 $0xA880;
	s6 =	sshrl.u32 s3, $0x3;
	s3 =	sshll.u32 s3, $0x4  }
0x11: {  	s7 =	sadd.s32 s6, s5;
	s6 =	smul.u32 $0x300, s6;
	s3 =	sadd.s32 s3, s5  }
0x12: {  	s7 =	sadd.s32 $0x9C00, s7;
	s22 =	sadd.s32 $0x1C00, s3;
	s3 =	sadd.s32 $0x9E00, s5  }
0x13: {  	[dreg:$0x5] =	wrdreg s7;
	s1 =	sadd.s32 s1, s6;
	s6 =	ssub.s32 s4, s21  }
0x14: {  	v2 =	vlaneseq.u32;
	[dreg:$0x7] =	wrdreg s22;
	s4 =	sadd.s32 $0x9F00, s5;
	s5 =	sadd.s32 $0xA000, s5  }
0x15: {  	vm0 =	vmmov $0xffff;
	v1 =	vshrl.u32 v2, $0x3;
	s7 =	simm.s32 $0x3;
	s21 =	simm.s32 $0x8080;
	s22 =	simm.s32 $0x8880  }
0x16: {  	v0 =	vand.u32 $0x7, v2;
	v2 =	vor.u32 $0x8, v2;
	v1 =	vmul.u32 $0x8, v1;
	[dreg:$0x6] =	wrdreg s1;
	s6 =	smax.u32 s6, $0x1;
	s1 =	simm.s32 $0x2  }
.LBB2_1:
0x17: {  	s0 =	rddreg [dreg:$0x5]  }
0x18: {  	[tilespmem:s2], [sflag:$0x3] =	stream.linear.gather [hbm4b:s0+s2], $0x40, $0x38;
	[tilespmem:$0xE080] =	vst v63  }
0x19: {  	_ =	swait.ge [sflag:s7], $0x40  }
0x1a: {  	[sflag:s7] =	ssyncset.done $0x0  }
0x1b: {  	s10 =	rddreg [dreg:$0x6];
	[sflag:s7] =	ssyncadd.s32 $0xFFFFFFC0  }
0x1c: {  	[tilespmem:s8], [sflag:$0x3] =	stream.linear.gather [hbm4b:s10+s2], $0xC000, $0x38;
	[tilespmem:$0xE080] =	vst v63  }
0x1d: {  	_ =	swait.ge [sflag:s7], $0xC000  }
0x1e: {  	[sflag:s7] =	ssyncset.done $0x0  }
0x1f: {  	s10 =	rddreg [dreg:$0x7];
	[sflag:s7] =	ssyncadd.s32 $0xFFFF4000  }
0x20: {  	[tilespmem:s9], [sflag:$0x3] =	stream.linear.gather [hbm4b:s10+s2], $0x2000, $0x38;
	[tilespmem:$0xE080] =	vst v63  }
0x21: {  	_ =	swait.ge [sflag:s7], $0x2000  }
0x22: {  	[sflag:s7] =	ssyncset.done $0x0  }
0x23: {  	[sflag:s7] =	ssyncadd.s32 $0xFFFFE000  }
0x24: {  	v3 =	vld [tilespmem:$0x0];
	_ =	sdelay $0x4  }
0x25: {  	v4 =	vshrl.u32 v3, $0x3  }
0x26: {  	v4 =	vmul.u32 $0x30, v4  }
0x27: {  	v3 =	vand.u32 $0x7, v3  }
0x28: {  	v3 =	vor.u32 v3, v4  }
0x29: {  	v4 =	vperm.xlane v3, v0;
	_ =	sdelay $0x1  }
0x2a: {  	v4 =	vadd.s32 v1, v4;
	_ =	sdelay $0x3  }
0x2b: {  	v3 =	vperm.xlane v3, v2  }
0x2c: {  	[hbm4b:s3+s2] =	stream.indirect_vreg.scatter [tilespmem:s8], [sflag:$0x1], $0x80, v4, vm0, $0xb8;
	[tilespmem:$0xE080] =	vst v63  }
0x2d: {  	s0 =	rddreg [dreg:$0x8];
	v3 =	vadd.s32 v1, v3  }
0x2e: {  	[hbm4b:s4+s2] =	stream.indirect_vreg.scatter [tilespmem:s0], [sflag:$0x1], $0x80, v4, vm0, $0xb8;
	[tilespmem:$0xE080] =	vst v63  }
0x2f: {  	s10 =	rddreg [dreg:$0x9]  }
0x30: {  	[hbm4b:s5+s2] =	stream.indirect_vreg.scatter [tilespmem:s10], [sflag:$0x1], $0x80, v4, vm0, $0xb8;
	[tilespmem:$0xE080] =	vst v63  }
0x31: {  	s0 =	rddreg [dreg:$0xa]  }
0x32: {  	[hbm4b:s3+s2] =	stream.indirect_vreg.scatter [tilespmem:s0], [sflag:$0x1], $0x80, v3, vm0, $0xb8;
	[tilespmem:$0xE080] =	vst v63  }
0x33: {  	s10 =	rddreg [dreg:$0xb]  }
0x34: {  	[hbm4b:s4+s2] =	stream.indirect_vreg.scatter [tilespmem:s10], [sflag:$0x1], $0x80, v3, vm0, $0xb8;
	[tilespmem:$0xE080] =	vst v63  }
0x35: {  	s10 =	simm.s32 $0x2880  }
0x36: {  	[hbm4b:s5+s2] =	stream.indirect_vreg.scatter [tilespmem:s10], [sflag:$0x1], $0x80, v3, vm0, $0xb8;
	[tilespmem:$0xE080] =	vst v63  }
0x37: {  	v3 =	vld [tilespmem:$0x10];
	_ =	sdelay $0x4  }
0x38: {  	v61 =	vshrl.u32 v3, $0x3  }
0x39: {  	v4 =	vmul.u32 $0x30, v61  }
0x3a: {  	v3 =	vand.u32 $0x7, v3  }
0x3b: {  	v3 =	vor.u32 v3, v4  }
0x3c: {  	v4 =	vperm.xlane v3, v0;
	_ =	sdelay $0x1  }
0x3d: {  	v4 =	vadd.s32 v1, v4;
	_ =	sdelay $0x3  }
0x3e: {  	v3 =	vperm.xlane v3, v2  }
0x3f: {  	[hbm4b:s3+s2] =	stream.indirect_vreg.scatter [tilespmem:s11], [sflag:$0x1], $0x80, v4, vm0, $0xb8;
	[tilespmem:$0xE080] =	vst v63  }
0x40: {  	v3 =	vadd.s32 v1, v3  }
0x41: {  	[hbm4b:s4+s2] =	stream.indirect_vreg.scatter [tilespmem:s12], [sflag:$0x1], $0x80, v4, vm0, $0xb8;
	[tilespmem:$0xE080] =	vst v63  }
0x42: {  	_ = 	snop  }
0x43: {  	[hbm4b:s5+s2] =	stream.indirect_vreg.scatter [tilespmem:s13], [sflag:$0x1], $0x80, v4, vm0, $0xb8;
	[tilespmem:$0xE080] =	vst v63  }
0x44: {  	_ = 	snop  }
0x45: {  	[hbm4b:s3+s2] =	stream.indirect_vreg.scatter [tilespmem:s14], [sflag:$0x1], $0x80, v3, vm0, $0xb8;
	[tilespmem:$0xE080] =	vst v63  }
0x46: {  	_ = 	snop  }
0x47: {  	[hbm4b:s4+s2] =	stream.indirect_vreg.scatter [tilespmem:s15], [sflag:$0x1], $0x80, v3, vm0, $0xb8;
	[tilespmem:$0xE080] =	vst v63  }
0x48: {  	_ = 	snop  }
0x49: {  	[hbm4b:s5+s2] =	stream.indirect_vreg.scatter [tilespmem:s16], [sflag:$0x1], $0x80, v3, vm0, $0xb8;
	[tilespmem:$0xE080] =	vst v63  }
0x4a: {  	v3 =	vld [tilespmem:$0x20];
	_ =	sdelay $0x4  }
0x4b: {  	v62 =	vshrl.u32 v3, $0x3  }
0x4c: {  	v4 =	vmul.u32 $0x30, v62  }
0x4d: {  	v3 =	vand.u32 $0x7, v3  }
0x4e: {  	v3 =	vor.u32 v3, v4  }
0x4f: {  	v4 =	vperm.xlane v3, v0;
	_ =	sdelay $0x1  }
0x50: {  	v4 =	vadd.s32 v1, v4;
	_ =	sdelay $0x3  }
0x51: {  	v3 =	vperm.xlane v3, v2  }
0x52: {  	[hbm4b:s3+s2] =	stream.indirect_vreg.scatter [tilespmem:s17], [sflag:$0x1], $0x80, v4, vm0, $0xb8;
	[tilespmem:$0xE080] =	vst v63  }
0x53: {  	v3 =	vadd.s32 v1, v3  }
0x54: {  	[hbm4b:s4+s2] =	stream.indirect_vreg.scatter [tilespmem:s18], [sflag:$0x1], $0x80, v4, vm0, $0xb8;
	[tilespmem:$0xE080] =	vst v63  }
0x55: {  	_ = 	snop  }
0x56: {  	[hbm4b:s5+s2] =	stream.indirect_vreg.scatter [tilespmem:s19], [sflag:$0x1], $0x80, v4, vm0, $0xb8;
	[tilespmem:$0xE080] =	vst v63  }
0x57: {  	_ = 	snop  }
0x58: {  	[hbm4b:s3+s2] =	stream.indirect_vreg.scatter [tilespmem:s20], [sflag:$0x1], $0x80, v3, vm0, $0xb8;
	[tilespmem:$0xE080] =	vst v63  }
0x59: {  	_ = 	snop  }
0x5a: {  	[hbm4b:s4+s2] =	stream.indirect_vreg.scatter [tilespmem:s21], [sflag:$0x1], $0x80, v3, vm0, $0xb8;
	[tilespmem:$0xE080] =	vst v63  }
0x5b: {  	_ = 	snop  }
0x5c: {  	[hbm4b:s5+s2] =	stream.indirect_vreg.scatter [tilespmem:s22], [sflag:$0x1], $0x80, v3, vm0, $0xb8;
	[tilespmem:$0xE080] =	vst v63  }
0x5d: {  	v3 =	vld [tilespmem:$0x30];
	_ =	sdelay $0x4  }
0x5e: {  	v63 =	vshrl.u32 v3, $0x3  }
0x5f: {  	v4 =	vmul.u32 $0x30, v63  }
0x60: {  	v3 =	vand.u32 $0x7, v3  }
0x61: {  	v3 =	vor.u32 v3, v4  }
0x62: {  	v4 =	vperm.xlane v3, v0;
	_ =	sdelay $0x1  }
0x63: {  	v4 =	vadd.s32 v1, v4;
	_ =	sdelay $0x3  }
0x64: {  	v3 =	vperm.xlane v3, v2  }
0x65: {  	[hbm4b:s3+s2] =	stream.indirect_vreg.scatter [tilespmem:s23], [sflag:$0x1], $0x80, v4, vm0, $0xb8;
	[tilespmem:$0xE080] =	vst v63  }
0x66: {  	v3 =	vadd.s32 v1, v3  }
0x67: {  	[hbm4b:s4+s2] =	stream.indirect_vreg.scatter [tilespmem:s24], [sflag:$0x1], $0x80, v4, vm0, $0xb8;
	[tilespmem:$0xE080] =	vst v63  }
0x68: {  	_ = 	snop  }
0x69: {  	[hbm4b:s5+s2] =	stream.indirect_vreg.scatter [tilespmem:s25], [sflag:$0x1], $0x80, v4, vm0, $0xb8;
	[tilespmem:$0xE080] =	vst v63  }
0x6a: {  	_ = 	snop  }
0x6b: {  	[hbm4b:s3+s2] =	stream.indirect_vreg.scatter [tilespmem:s26], [sflag:$0x1], $0x80, v3, vm0, $0xb8;
	[tilespmem:$0xE080] =	vst v63  }
0x6c: {  	_ = 	snop  }
0x6d: {  	[hbm4b:s4+s2] =	stream.indirect_vreg.scatter [tilespmem:s28], [sflag:$0x1], $0x80, v3, vm0, $0xb8;
	[tilespmem:$0xE080] =	vst v63  }
0x6e: {  	_ = 	snop  }
0x6f: {  	[hbm4b:s5+s2] =	stream.indirect_vreg.scatter [tilespmem:s29], [sflag:$0x1], $0x80, v3, vm0, $0xb8;
	[tilespmem:$0xE080] =	vst v63  }
0x70: {  	s10 =	rddreg [dreg:$0x4]  }
0x71: {  	[hbm4b:s10+s30] =	stream.indirect.scatter [tilespmem:s9], [sflag:$0x2], $0x80, s2, s30, $0xb8;
	[tilespmem:$0xE080] =	vst v63  }
0x72: {  	p0 =	sne.s32 s6, $0x1;
	_ =	swait.ge [sflag:s31], $0xC000  }
.Ltmp0:
0x73: {  	[sflag:s31] =	ssyncset.done $0x0;
	(pc) =	sbr.rel @p0 .LBB2_1-.Ltmp0, $4  }
0x74: {  	[sflag:s31] =	ssyncadd.s32 $0xFFFF4000  }
0x75: {  	_ =	swait.ge [sflag:s1], $0x2000  }
0x76: {  	[sflag:s1] =	ssyncset.done $0x0  }
0x77: {  	s6 =	sadd.s32 $0xFFFFFFFF, s6;
	[sflag:s1] =	ssyncadd.s32 $0xFFFFE000  }
0x78: {  	_ =	sfence.sel $0x180000  }
0x79: {  	[bflag:$0x0] =	sbarrier.arrive $0xFFFF  }
0x7a: {  	_ =	strace $0x90000047  }
0x7b: {  	s0 =	stileid.u32;
	[bflag:$0x2] =	sbarrier.arrive $0xFFFF  }
0x7c: {  	p0 =	sne.s32 s0, $0x0;
	s0 =	rddreg [dreg:$0x3]  }
0x7d: {  	s0 =	sadd.s32 @!p0 $0x100000, s0  }
0x7e: {  	[sflag:s0] =	ssyncadd.tile.s32 @!p0 $0x1;
	_ =	shalt  }
.Lfunc_end2:
_tile_overlayer_lowered:
.L_overlay_start_2:
0x7f: {  	(tag) =	ssettag $0x2  }
0x80: {  	s0 =	rddreg [dreg:$0x0];
	s2 =	stileid.u32  }
0x81: {  	s1 =	rddreg [dreg:$0x1];
	p0 =	sne.s32 s2, $0x0  }
0x82: {  	s3 =	rddreg [dreg:$0x2];
	[bflag:$0x3] =	sbarrier.arrive $0xFFFF;
	s2 =	simm.s32 @!p0 $0x1C03  }
0x83: {  	[timem:s3], [sflag:s2] =	dma.local @!p0 [hbm:s0], s1  }
0x84: {  	s0 =	simm.s32 @!p0 $0x3  }
0x85: {  	_ =	swait.ge @!p0 [sflag:s0], s1  }
0x86: {  	s1 =	ssub.s32 @!p0 $0x0, s1;
	[sflag:s0] =	ssyncset.done @!p0 $0x0  }
0x87: {  	[sflag:s0] =	ssyncadd.s32 @!p0 s1  }
0x88: {  	[bflag:$0x3] =	sbarrier.arrive $0xFFFF  }
0x89: {  	_ =	shalt  }

// kernel: kernel.9.cloned.1.call-start
scs
__scs_entry_jumppad:
0x0: {  	(pc) =	sbr.rel $0x88, $3  }
0x1: {  	(tag) =	ssettag $0x0;
	lr =	simm.s32 $0x1  }
0x2: {  	[smem:$0x3F9C] =	sst lr;
	_ =	strace $0xD0000000  }
0x3: {  	_ = 	snop  }
0x4: {  	_ = 	snop  }
0x5: {  	_ = 	snop  }
0x6: {  	_ = 	snop  }
0x7: {  	_ = 	snop  }
__scs_overlays_trampoline_lowered:
0x8: {  	[smem:$0x3FAB] =	sst s0  }
0x9: {  	[smem:$0x3FAC] =	sst s1  }
0xa: {  	[smem:$0x3FAD] =	sst s2  }
0xb: {  	[smem:$0x3FAE] =	sst s3  }
0xc: {  	[smem:$0x3FAF] =	sst s4  }
0xd: {  	[smem:$0x3FB0] =	sst s5  }
0xe: {  	[smem:$0x3FB1] =	sst s6  }
0xf: {  	[smem:$0x3FB2] =	sst s7  }
0x10: {  	[smem:$0x3FB3] =	sst s8  }
0x11: {  	[smem:$0x3FB4] =	sst s9;
	s0 =	simm.s32 @!p0 $0x0  }
0x12: {  	s1 =	sld [smem:$0x3F9A];
	s0 =	simm.s32 @p0 $0x1  }
0x13: {  	[smem:$0x3FB5] =	sst s0;
	s0 =	simm.s32 @!p1 $0x0  }
0x14: {  	s2 =	sld [smem:$0x3F99];
	s0 =	simm.s32 @p1 $0x1  }
0x15: {  	[smem:$0x3FB6] =	sst s0;
	s0 =	simm.s32 @!p2 $0x0  }
0x16: {  	s3 =	sld [smem:$0x3FDB];
	s0 =	simm.s32 @p2 $0x1  }
0x17: {  	s4 =	simm.s32 $0x1BF5;
	[smem:$0x3FB8] =	sst s0  }
0x18: {  	s0 =	sld [smem:$0x3F9B];
	_ =	swait.ge [sflag:s4], $0x0  }
0x19: {  	s7 =	sld [smem:$0x3F9C]  }
0x1a: {  	s8 =	sadd.s32 $0xFFFFE003, lr  }
0x1b: {  	s9 =	sadd.s32 $0xFFFFFEF7, lr;
	s5 =	simm.s32 $0xFFFFFFFF;
	p2 =	slt.u32 s8, $0xFFFFF086  }
0x1c: {  	p1 =	slt.u32 s9, $0xF7A;
	s5 =	simm.s32 @!p2 $0x0  }
0x1d: {  	s5 =	simm.s32 @p1 $0x1;
	p0 =	seq.s32 s7, s2  }
0x1e: {  	s7 =	smul.u32 @!p0 $0xF7A, s2;
	p2 =	seq.s32 @!p0 s5, $0x0  }
0x1f: {  	s9 =	smul.u32 $0xF7A, s1;
	s8 =	simm.s32 @!p0 $0x1BF5;
	p2 =	por !p2, p0  }
0x20: {  	[sflag:s8] =	ssyncset.s32 @!p0 $0xFFFFF086;
	s6 =	sadd.s32 @!p0 s3, s7;
	s7 =	simm.s32 @!p0 $0x108  }
0x21: {  	s3 =	sadd.s32 s3, s9;
	s6 =	sadd.s32 @!p0 $0x88, s6;
	s7 =	simm.s32 @p2 $0x1082  }
0x22: {  	[simem:s7], [sflag:s8] =	dma.local @!p0 [hbm:s6], $0xF7A  }
0x23: {  	s9 =	sor.u32 $0xD0000000, s2;
	s6 =	simm.s32 $0x108;
	_ =	swait.ge @!p0 [sflag:s8], $0x0  }
0x24: {  	s3 =	sadd.s32 $0x88, s3;
	s6 =	simm.s32 @!p1 $0x1082;
	[sflag:s4] =	ssyncset.s32 $0xFFFFF086  }
0x25: {  	[simem:s6], [sflag:s4] =	dma.local [hbm:s3], $0xF7A  }
0x26: {  	[smem:$0x3F9C] =	sst s1;
	(tag) =	ssettag s2;
	_ =	strace s9  }
0x27: {  	s1 =	sld [smem:$0x3FAC]  }
0x28: {  	s2 =	sld [smem:$0x3FAD]  }
0x29: {  	s4 =	sld [smem:$0x3FAF]  }
0x2a: {  	p0 =	seq.s32 s5, $0x0;
	s5 =	sld [smem:$0x3FB0]  }
0x2b: {  	s6 =	sld [smem:$0x3FB1]  }
0x2c: {  	s7 =	sld [smem:$0x3FB2]  }
0x2d: {  	s3 =	simm.s32 $0x108;
	s8 =	sld [smem:$0x3FB3]  }
0x2e: {  	s3 =	simm.s32 @!p0 $0x1082;
	s9 =	sld [smem:$0x3FB4]  }
0x2f: {  	lr =	sadd.s32 s0, s3;
	s0 =	sld [smem:$0x3FAB]  }
0x30: {  	s3 =	sld [smem:$0x3FAE]  }
0x31: {  	[smem:$0x3FB7] =	sst s10  }
0x32: {  	s10 =	sld [smem:$0x3FB5];
	_ =	sdelay $0x3  }
0x33: {  	p0 =	seq.s32 s10, $0x1;
	s10 =	sld [smem:$0x3FB7];
	_ =	sdelay $0x3  }
0x34: {  	[smem:$0x3FB7] =	sst s10  }
0x35: {  	s10 =	sld [smem:$0x3FB6];
	_ =	sdelay $0x3  }
0x36: {  	p1 =	seq.s32 s10, $0x1;
	s10 =	sld [smem:$0x3FB7];
	_ =	sdelay $0x3  }
0x37: {  	[smem:$0x3FB7] =	sst s10  }
0x38: {  	s10 =	sld [smem:$0x3FB8]  }
0x39: {  	_ = 	snop;
	(pc) =	sbr.ind lr, $3  }
0x3a: {  	_ = 	snop  }
0x3b: {  	_ = 	snop  }
0x3c: {  	p2 =	seq.s32 s10, $0x1;
	s10 =	sld [smem:$0x3FB7]  }
0x3d: {  	_ =	shalt  }
0x3e: {  	_ =	shalt  }
0x3f: {  	_ =	shalt  }
0x40: {  	_ =	shalt  }
0x41: {  	_ =	shalt  }
0x42: {  	_ =	shalt  }
0x43: {  	_ =	shalt  }
0x44: {  	_ =	shalt  }
0x45: {  	_ =	shalt  }
0x46: {  	_ =	shalt  }
0x47: {  	_ =	shalt  }
0x48: {  	_ =	shalt  }
0x49: {  	_ =	shalt  }
0x4a: {  	_ =	shalt  }
0x4b: {  	_ =	shalt  }
0x4c: {  	_ =	shalt  }
0x4d: {  	_ =	shalt  }
0x4e: {  	_ =	shalt  }
0x4f: {  	_ =	shalt  }
0x50: {  	_ =	shalt  }
0x51: {  	_ =	shalt  }
0x52: {  	_ =	shalt  }
0x53: {  	_ =	shalt  }
0x54: {  	_ =	shalt  }
0x55: {  	_ =	shalt  }
0x56: {  	_ =	shalt  }
0x57: {  	_ =	shalt  }
0x58: {  	_ =	shalt  }
0x59: {  	_ =	shalt  }
0x5a: {  	_ =	shalt  }
0x5b: {  	_ =	shalt  }
0x5c: {  	_ =	shalt  }
0x5d: {  	_ =	shalt  }
0x5e: {  	_ =	shalt  }
0x5f: {  	_ =	shalt  }
0x60: {  	_ =	shalt  }
0x61: {  	_ =	shalt  }
0x62: {  	_ =	shalt  }
0x63: {  	_ =	shalt  }
0x64: {  	_ =	shalt  }
0x65: {  	_ =	shalt  }
0x66: {  	_ =	shalt  }
0x67: {  	_ =	shalt  }
0x68: {  	_ =	shalt  }
0x69: {  	_ =	shalt  }
0x6a: {  	_ =	shalt  }
0x6b: {  	_ =	shalt  }
0x6c: {  	_ =	shalt  }
0x6d: {  	_ =	shalt  }
0x6e: {  	_ =	shalt  }
0x6f: {  	_ =	shalt  }
0x70: {  	_ =	shalt  }
0x71: {  	_ =	shalt  }
0x72: {  	_ =	shalt  }
0x73: {  	_ =	shalt  }
0x74: {  	_ =	shalt  }
0x75: {  	_ =	shalt  }
0x76: {  	_ =	shalt  }
0x77: {  	_ =	shalt  }
0x78: {  	_ =	shalt  }
0x79: {  	_ =	shalt  }
0x7a: {  	_ =	shalt  }
0x7b: {  	_ =	shalt  }
0x7c: {  	_ =	shalt  }
0x7d: {  	_ =	shalt  }
0x7e: {  	_ =	shalt  }
0x7f: {  	_ =	shalt  }
0x80: {  	_ =	shalt  }
0x81: {  	_ =	shalt  }
0x82: {  	_ =	shalt  }
0x83: {  	_ =	shalt  }
0x84: {  	_ =	shalt  }
0x85: {  	_ =	shalt  }
0x86: {  	_ =	shalt  }
0x87: {  	_ =	shalt  }
.Lfunc_end0:
.L_simem_size_0:
called_computation.1_lowered:
.L_overlay_start_0:
0x88: {  	s2 =	sld [smem:$0x3FD9]  }
0x89: {  	s3 =	sld [smem:$0x3FFE];
	_ =	sdelay $0x1  }
0x8a: {  	s1 =	srdreg.scid  }
0x8b: {  	s0 =	sand.u32 $0x1, s1  }
0x8c: {  	s17 =	sshll.u32 s0, $0xA;
	s2 =	sadd.s32 s3, s2  }
0x8d: {  	s2 =	sadd.s32 s2, s17  }
0x8e: {  	[smem:$0x3FC3] =	sst s2  }
0x8f: {  	_ = 	snop  }
0x90: {  	s2 =	sld [smem:$0x3FD0];
	(tm) =	ssettm $0x1  }
0x91: {  	s18 =	sld [smem:$0x3FFB];
	_ =	sdelay $0x3  }
0x92: {  	_ =	strace s18  }
0x93: {  	s3 =	sld [smem:$0x3FFC];
	_ =	sdelay $0x3  }
0x94: {  	_ =	strace s3  }
0x95: {  	s3 =	sld [smem:$0x3FFD];
	_ =	sdelay $0x3  }
0x96: {  	_ =	strace s3  }
0x97: {  	_ =	strace $0x8FFFFFFF  }
0x98: {  	s19 =	sld [smem:$0x3FDB];
	_ =	sdelay $0x1  }
0x99: {  	s4 =	simm.s32 $_scs_section_size  }
0x9a: {  	s5 =	simm.s32 $_size__tile_overlayer_lowered;
	s6 =	simm.s32 $_tile_overlayer_lowered  }
0x9b: {  	s22 =	simm.s32 $0x1BFF;
	s21 =	sshll.u32 s6, $0x1;
	s3 =	sadd.s32 s4, s19  }
0x9c: {  	s7 =	simm.s32 $0x0;
	s20 =	sshll.u32 s5, $0x1;
	s5 =	sadd.s32 s21, s3  }
0x9d: {  	[timem:s7], [sflag:s22] =	dma.local [hbm:s5], s20  }
0x9e: {  	_ =	swait.ge [sflag:s22], s20  }
0x9f: {  	s4 =	ssub.s32 $0x0, s20;
	[sflag:s22] =	ssyncset.done $0x0  }
0xa0: {  	[sflag:s22] =	ssyncadd.s32 s4;
	_ =	sdelay $0x1  }
0xa1: {  	s23 =	simm.s32 $0x1B8B  }
0xa2: {  	_ =	swait.ge [sflag:s23], $0x1  }
0xa3: {  	[sflag:s23] =	ssyncset.done $0x0  }
0xa4: {  	s25 =	simm.s32 $0x1B8E;
	s24 =	sld [smem:$0x3FFE];
	[sflag:s23] =	ssyncadd.s32 $0xFFFFFFFF  }
0xa5: {  	s26 =	simm.s32 $execute0_lowered;
	[smem:$0x3FD2] =	sst s25  }
0xa6: {  	s5 =	sshll.u32 s26, $0x1;
	_ =	strace $0x80000049;
	[dreg:$0x1] =	wrdreg $0xFFFFFFFF  }
0xa7: {  	s28 =	simm.s32 $_size_execute0_lowered;
	s3 =	sadd.s32 s3, s5;
	[dreg:$0x0] =	wrdreg $0x0  }
0xa8: {  	s5 =	sshll.u32 s28, $0x1;
	[dreg:$0x2] =	wrdreg s3  }
0xa9: {  	[dreg:$0x3] =	wrdreg s5  }
0xaa: {  	[dreg:$0x4] =	wrdreg $0xC0  }
0xab: {  	_ =	task [dreg:s7], $0x5FFFF  }
0xac: {  	[dreg:$0x1] =	wrdreg $0xFFFFFFFF  }
0xad: {  	[dreg:$0x0] =	wrdreg $0x60  }
0xae: {  	[dreg:$0x2] =	wrdreg s24  }
0xaf: {  	[dreg:$0x3] =	wrdreg s2  }
0xb0: {  	[dreg:$0x4] =	wrdreg $0x9  }
0xb1: {  	_ =	task.clear_ibuf [dreg:s7], $0x5FFFF;
	_ =	strace $0x90000049  }
0xb2: {  	s29 =	simm.s32 $0x9;
	_ =	strace $0x8000004B  }
0xb3: {  	_ =	swait.ge [sflag:s29], $0x1  }
0xb4: {  	[sflag:s29] =	ssyncadd.s32 $0xFFFFFFFF  }
0xb5: {  	_ =	strace $0x9000004B  }
0xb6: {  	_ =	sfence  }
0xb7: {  	s30 =	sld [smem:$0x0];
	_ =	sdelay $0x2  }
0xb8: {  	s31 =	sshll.u32 s1, $0xD;
	s1 =	sshrl.u32 s1, $0x2  }
0xb9: {  	s3 =	sand.u32 $0x4000, s31;
	s1 =	sadd.s32 s1, s30  }
0xba: {  	s0 =	sor.u32 s3, s0;
	s1 =	sshll.u32 s1, $0x11  }
0xbb: {  	s0 =	sor.u32 s1, s0  }
0xbc: {  	s0 =	sadd.s32 $0x8F2B, s0  }
0xbd: {  	[sflag:s0] =	ssyncadd.remote.s32 $0x1  }
0xbe: {  	_ =	sfence.sel $0xFFFF  }
0xbf: {  	[dreg:$0x0] =	wrdreg $0xFFFFFFFF;
	(pc) =	sbr.abs _section_cstart, $3  }
0xc0: {  	[dreg:$0x1] =	wrdreg $0xFFFFFFFF  }
0xc1: {  	_ =	task.clear_ibuf [dreg:s7], $0x2FFFF;
	_ =	strace $0x9FFFFFFF  }
0xc2: {  	(tm) =	ssettm $0x7FFFFFFF  }
0xc3: {  	_ =	shalt  }
tec
execute0_lowered:
.L_overlay_start_1:
0x0: {  	(tag) =	ssettag $0x1  }
0x1: {  	s0 =	rddreg [dreg:$0x0]  }
0x2: {  	s5 =	rddreg [dreg:$0x1];
	s3 =	srdreg.scid  }
0x3: {  	s2 =	simm.s32 $0x0;
	s1 =	stileid.u32;
	s26 =	simm.s32 $0x880  }
0x4: {  	s10 =	simm.s32 $0x1880;
	s11 =	simm.s32 $0x2080;
	s12 =	simm.s32 $0x2880  }
0x5: {  	s13 =	simm.s32 $0x3080;
	s14 =	simm.s32 $0x3880;
	s15 =	simm.s32 $0x4080  }
0x6: {  	s16 =	simm.s32 $0x4880;
	s17 =	simm.s32 $0x5080;
	s18 =	simm.s32 $0x5880  }
0x7: {  	s19 =	simm.s32 $0x6080;
	s20 =	simm.s32 $0x6880;
	s21 =	simm.s32 $0x7080  }
0x8: {  	s22 =	simm.s32 $0x7880;
	s28 =	simm.s32 $0xA080;
	s29 =	simm.s32 $0xA880  }
0x9: {  	s30 =	simm.s32 $0xB080;
	s31 =	simm.s32 $0xB880;
	s3 =	sand.u32 $0x1, s3  }
0xa: {  	[smem:$0x7FF] =	sst s2;
	s4 =	sshll.u32 s1, $0x4;
	s6 =	sshll.u32 s3, $0x3  }
0xb: {  	_ =	strace $0x8000004A;
	s23 =	ssub.s32 $0x2, s3;
	s3 =	sadd.s32 $0x9E00, s0  }
0xc: {  	[dreg:$0x5] =	wrdreg s26;
	s26 =	simm.s32 $0x9880;
	s4 =	sor.u32 s6, s4  }
0xd: {  	s8 =	sshrl.u32 s23, $0x1;
	s7 =	sadd.s32 s4, s0;
	s9 =	smul.u32 $0x300, s4  }
0xe: {  	s6 =	ssub.s32 s23, s8;
	s4 =	sadd.s32 $0x9F00, s0;
	s8 =	simm.s32 $0x80  }
0xf: {  	s23 =	simm.s32 $0x8080;
	s24 =	sadd.s32 $0x9C00, s7;
	s6 =	smax.u32 s6, $0x1  }
0x10: {  	v2 =	vlaneseq.u32;
	s7 =	simm.s32 $0x2;
	[dreg:$0x3] =	wrdreg s24;
	s25 =	sadd.s32 s5, s9  }
0x11: {  	vm0 =	vmmov $0xffff;
	v1 =	vshrl.u32 v2, $0x3;
	s5 =	sadd.s32 $0xA000, s0;
	s9 =	simm.s32 $0x1080;
	s24 =	simm.s32 $0x8880  }
0x12: {  	v0 =	vand.u32 $0x7, v2;
	v2 =	vor.u32 $0x8, v2;
	v1 =	vmul.u32 $0x8, v1;
	s0 =	simm.s32 $0x1;
	[dreg:$0x4] =	wrdreg s25;
	s25 =	simm.s32 $0x9080  }
.LBB2_1:
0x13: {  	s1 =	rddreg [dreg:$0x3]  }
0x14: {  	[tilespmem:s2], [sflag:$0x2] =	stream.linear.gather [hbm4b:s1+s2], $0x40, $0x38;
	[tilespmem:$0xC080] =	vst v63  }
0x15: {  	_ =	swait.ge [sflag:s7], $0x40  }
0x16: {  	[sflag:s7] =	ssyncset.done $0x0  }
0x17: {  	[sflag:s7] =	ssyncadd.s32 $0xFFFFFFC0  }
0x18: {  	v3 =	vld [tilespmem:$0x0];
	_ =	sdelay $0x4  }
0x19: {  	v4 =	vshrl.u32 v3, $0x3  }
0x1a: {  	v4 =	vmul.u32 $0x30, v4  }
0x1b: {  	v3 =	vand.u32 $0x7, v3  }
0x1c: {  	v3 =	vor.u32 v3, v4  }
0x1d: {  	v4 =	vperm.xlane v3, v0;
	_ =	sdelay $0x1  }
0x1e: {  	v4 =	vadd.s32 v1, v4;
	_ =	sdelay $0x3  }
0x1f: {  	v3 =	vperm.xlane v3, v2  }
0x20: {  	[tilespmem:s8], [sflag:$0x1] =	stream.indirect_vreg.gather [hbm4b:s3+s2], $0x80, v4, vm0, $0xb8;
	[tilespmem:$0xC080] =	vst v63  }
0x21: {  	s1 =	rddreg [dreg:$0x5];
	v3 =	vadd.s32 v1, v3  }
0x22: {  	[tilespmem:s1], [sflag:$0x1] =	stream.indirect_vreg.gather [hbm4b:s4+s2], $0x80, v4, vm0, $0xb8;
	[tilespmem:$0xC080] =	vst v63  }
0x23: {  	_ = 	snop  }
0x24: {  	[tilespmem:s9], [sflag:$0x1] =	stream.indirect_vreg.gather [hbm4b:s5+s2], $0x80, v4, vm0, $0xb8;
	[tilespmem:$0xC080] =	vst v63  }
0x25: {  	_ = 	snop  }
0x26: {  	[tilespmem:s10], [sflag:$0x1] =	stream.indirect_vreg.gather [hbm4b:s3+s2], $0x80, v3, vm0, $0xb8;
	[tilespmem:$0xC080] =	vst v63  }
0x27: {  	_ = 	snop  }
0x28: {  	[tilespmem:s11], [sflag:$0x1] =	stream.indirect_vreg.gather [hbm4b:s4+s2], $0x80, v3, vm0, $0xb8;
	[tilespmem:$0xC080] =	vst v63  }
0x29: {  	_ = 	snop  }
0x2a: {  	[tilespmem:s12], [sflag:$0x1] =	stream.indirect_vreg.gather [hbm4b:s5+s2], $0x80, v3, vm0, $0xb8;
	[tilespmem:$0xC080] =	vst v63  }
0x2b: {  	v3 =	vld [tilespmem:$0x10];
	_ =	sdelay $0x4  }
0x2c: {  	v61 =	vshrl.u32 v3, $0x3  }
0x2d: {  	v4 =	vmul.u32 $0x30, v61  }
0x2e: {  	v3 =	vand.u32 $0x7, v3  }
0x2f: {  	v3 =	vor.u32 v3, v4  }
0x30: {  	v4 =	vperm.xlane v3, v0;
	_ =	sdelay $0x1  }
0x31: {  	v4 =	vadd.s32 v1, v4;
	_ =	sdelay $0x3  }
0x32: {  	v3 =	vperm.xlane v3, v2  }
0x33: {  	[tilespmem:s13], [sflag:$0x1] =	stream.indirect_vreg.gather [hbm4b:s3+s2], $0x80, v4, vm0, $0xb8;
	[tilespmem:$0xC080] =	vst v63  }
0x34: {  	v3 =	vadd.s32 v1, v3  }
0x35: {  	[tilespmem:s14], [sflag:$0x1] =	stream.indirect_vreg.gather [hbm4b:s4+s2], $0x80, v4, vm0, $0xb8;
	[tilespmem:$0xC080] =	vst v63  }
0x36: {  	_ = 	snop  }
0x37: {  	[tilespmem:s15], [sflag:$0x1] =	stream.indirect_vreg.gather [hbm4b:s5+s2], $0x80, v4, vm0, $0xb8;
	[tilespmem:$0xC080] =	vst v63  }
0x38: {  	_ = 	snop  }
0x39: {  	[tilespmem:s16], [sflag:$0x1] =	stream.indirect_vreg.gather [hbm4b:s3+s2], $0x80, v3, vm0, $0xb8;
	[tilespmem:$0xC080] =	vst v63  }
0x3a: {  	_ = 	snop  }
0x3b: {  	[tilespmem:s17], [sflag:$0x1] =	stream.indirect_vreg.gather [hbm4b:s4+s2], $0x80, v3, vm0, $0xb8;
	[tilespmem:$0xC080] =	vst v63  }
0x3c: {  	_ = 	snop  }
0x3d: {  	[tilespmem:s18], [sflag:$0x1] =	stream.indirect_vreg.gather [hbm4b:s5+s2], $0x80, v3, vm0, $0xb8;
	[tilespmem:$0xC080] =	vst v63  }
0x3e: {  	v3 =	vld [tilespmem:$0x20];
	_ =	sdelay $0x4  }
0x3f: {  	v62 =	vshrl.u32 v3, $0x3  }
0x40: {  	v4 =	vmul.u32 $0x30, v62  }
0x41: {  	v3 =	vand.u32 $0x7, v3  }
0x42: {  	v3 =	vor.u32 v3, v4  }
0x43: {  	v4 =	vperm.xlane v3, v0;
	_ =	sdelay $0x1  }
0x44: {  	v4 =	vadd.s32 v1, v4;
	_ =	sdelay $0x3  }
0x45: {  	v3 =	vperm.xlane v3, v2  }
0x46: {  	[tilespmem:s19], [sflag:$0x1] =	stream.indirect_vreg.gather [hbm4b:s3+s2], $0x80, v4, vm0, $0xb8;
	[tilespmem:$0xC080] =	vst v63  }
0x47: {  	v3 =	vadd.s32 v1, v3  }
0x48: {  	[tilespmem:s20], [sflag:$0x1] =	stream.indirect_vreg.gather [hbm4b:s4+s2], $0x80, v4, vm0, $0xb8;
	[tilespmem:$0xC080] =	vst v63  }
0x49: {  	_ = 	snop  }
0x4a: {  	[tilespmem:s21], [sflag:$0x1] =	stream.indirect_vreg.gather [hbm4b:s5+s2], $0x80, v4, vm0, $0xb8;
	[tilespmem:$0xC080] =	vst v63  }
0x4b: {  	_ = 	snop  }
0x4c: {  	[tilespmem:s22], [sflag:$0x1] =	stream.indirect_vreg.gather [hbm4b:s3+s2], $0x80, v3, vm0, $0xb8;
	[tilespmem:$0xC080] =	vst v63  }
0x4d: {  	_ = 	snop  }
0x4e: {  	[tilespmem:s23], [sflag:$0x1] =	stream.indirect_vreg.gather [hbm4b:s4+s2], $0x80, v3, vm0, $0xb8;
	[tilespmem:$0xC080] =	vst v63  }
0x4f: {  	_ = 	snop  }
0x50: {  	[tilespmem:s24], [sflag:$0x1] =	stream.indirect_vreg.gather [hbm4b:s5+s2], $0x80, v3, vm0, $0xb8;
	[tilespmem:$0xC080] =	vst v63  }
0x51: {  	v3 =	vld [tilespmem:$0x30];
	_ =	sdelay $0x4  }
0x52: {  	v63 =	vshrl.u32 v3, $0x3  }
0x53: {  	v4 =	vmul.u32 $0x30, v63  }
0x54: {  	v3 =	vand.u32 $0x7, v3  }
0x55: {  	v3 =	vor.u32 v3, v4  }
0x56: {  	v4 =	vperm.xlane v3, v0;
	_ =	sdelay $0x1  }
0x57: {  	v4 =	vadd.s32 v1, v4;
	_ =	sdelay $0x3  }
0x58: {  	v3 =	vperm.xlane v3, v2  }
0x59: {  	[tilespmem:s25], [sflag:$0x1] =	stream.indirect_vreg.gather [hbm4b:s3+s2], $0x80, v4, vm0, $0xb8;
	[tilespmem:$0xC080] =	vst v63  }
0x5a: {  	v3 =	vadd.s32 v1, v3  }
0x5b: {  	[tilespmem:s26], [sflag:$0x1] =	stream.indirect_vreg.gather [hbm4b:s4+s2], $0x80, v4, vm0, $0xb8;
	[tilespmem:$0xC080] =	vst v63  }
0x5c: {  	_ = 	snop  }
0x5d: {  	[tilespmem:s28], [sflag:$0x1] =	stream.indirect_vreg.gather [hbm4b:s5+s2], $0x80, v4, vm0, $0xb8;
	[tilespmem:$0xC080] =	vst v63  }
0x5e: {  	_ = 	snop  }
0x5f: {  	[tilespmem:s29], [sflag:$0x1] =	stream.indirect_vreg.gather [hbm4b:s3+s2], $0x80, v3, vm0, $0xb8;
	[tilespmem:$0xC080] =	vst v63  }
0x60: {  	_ = 	snop  }
0x61: {  	[tilespmem:s30], [sflag:$0x1] =	stream.indirect_vreg.gather [hbm4b:s4+s2], $0x80, v3, vm0, $0xb8;
	[tilespmem:$0xC080] =	vst v63  }
0x62: {  	_ = 	snop  }
0x63: {  	[tilespmem:s31], [sflag:$0x1] =	stream.indirect_vreg.gather [hbm4b:s5+s2], $0x80, v3, vm0, $0xb8;
	[tilespmem:$0xC080] =	vst v63  }
0x64: {  	_ =	swait.ge [sflag:s0], $0xC000  }
0x65: {  	p0 =	sne.s32 s6, $0x1;
	[sflag:s0] =	ssyncset.done $0x0  }
.Ltmp0:
0x66: {  	s1 =	rddreg [dreg:$0x4];
	[sflag:s0] =	ssyncadd.s32 $0xFFFF4000;
	(pc) =	sbr.rel @p0 .LBB2_1-.Ltmp0, $4  }
0x67: {  	[hbm4b:s1+s2] =	stream.linear.scatter [tilespmem:s8], [sflag:$0x2], $0xC000, $0x38;
	[tilespmem:$0xC080] =	vst v63  }
0x68: {  	_ =	swait.ge [sflag:s7], $0xC000  }
0x69: {  	[sflag:s7] =	ssyncset.done $0x0  }
0x6a: {  	s6 =	sadd.s32 $0xFFFFFFFF, s6;
	[sflag:s7] =	ssyncadd.s32 $0xFFFF4000  }
0x6b: {  	_ =	sfence.sel $0x180000  }
0x6c: {  	[bflag:$0x0] =	sbarrier.arrive $0xFFFF  }
0x6d: {  	_ =	strace $0x9000004A  }
0x6e: {  	s0 =	stileid.u32;
	[bflag:$0x2] =	sbarrier.arrive $0xFFFF  }
0x6f: {  	p0 =	sne.s32 s0, $0x0;
	s0 =	rddreg [dreg:$0x2]  }
0x70: {  	s0 =	sadd.s32 @!p0 $0x100000, s0  }
0x71: {  	[sflag:s0] =	ssyncadd.tile.s32 @!p0 $0x1;
	_ =	shalt  }
.Lfunc_end2:
_tile_overlayer_lowered:
.L_overlay_start_2:
0x72: {  	(tag) =	ssettag $0x2  }
0x73: {  	s0 =	rddreg [dreg:$0x0];
	s2 =	stileid.u32  }
0x74: {  	s1 =	rddreg [dreg:$0x1];
	p0 =	sne.s32 s2, $0x0  }
0x75: {  	s3 =	rddreg [dreg:$0x2];
	[bflag:$0x3] =	sbarrier.arrive $0xFFFF;
	s2 =	simm.s32 @!p0 $0x1C02  }
0x76: {  	[timem:s3], [sflag:s2] =	dma.local @!p0 [hbm:s0], s1  }
0x77: {  	s0 =	simm.s32 @!p0 $0x2  }
0x78: {  	_ =	swait.ge @!p0 [sflag:s0], s1  }
0x79: {  	s1 =	ssub.s32 @!p0 $0x0, s1;
	[sflag:s0] =	ssyncset.done @!p0 $0x0  }
0x7a: {  	[sflag:s0] =	ssyncadd.s32 @!p0 s1  }
0x7b: {  	[bflag:$0x3] =	sbarrier.arrive $0xFFFF  }
0x7c: {  	_ =	shalt  }

</sc_bundles>
